<compile_context>
chip_gen: v7x
topology: tpu7x:2x2x1
jax: 0.10.2.dev20260603
libtpu: 0.0.44.dev20260713+nightly
codegen_flags: <defaults>
</compile_context>

<pallas_src>
import functools
import math

import numpy as np
import jax
import jax.numpy as jnp
from jax import lax
from jax.experimental import pallas as pl
from jax.experimental.pallas import tpu as pltpu
from jax.experimental.pallas import tpu_sc as plsc

B = 8
PER = 256
FEAT = 512
TDIM = 256
TRI = PER * (PER - 1) // 2
WORKERS_PER_GRAPH = 4
OUT_PER_W = TRI // WORKERS_PER_GRAPH
OUT_PAD = 8192
WIN_ROWS = 136


def _build_triu_tables():
    lens = PER - 1 - np.arange(PER)
    rows = np.repeat(np.arange(PER), lens)
    cols = np.concatenate([np.arange(r + 1, PER) for r in range(PER)])
    rlo = np.empty((WORKERS_PER_GRAPH,), dtype=np.int32)
    nrows = np.empty((WORKERS_PER_GRAPH,), dtype=np.int32)
    nr1 = np.empty((WORKERS_PER_GRAPH,), dtype=np.int32)
    idx = np.zeros((WORKERS_PER_GRAPH, OUT_PAD), dtype=np.int32)
    for q in range(WORKERS_PER_GRAPH):
        sl = slice(q * OUT_PER_W, (q + 1) * OUT_PER_W)
        rlo[q] = (rows[sl][0] // 8) * 8
        nrows[q] = -((rlo[q] - (rows[sl][-1] + 1)) // 8) * 8
        nr1[q] = -((rlo[q] - (rows[q * OUT_PER_W + OUT_PAD // 2 - 1] + 1))
                   // 8) * 8
        assert rows[sl][-1] - rlo[q] < nrows[q] <= WIN_ROWS
        assert 0 < nr1[q] <= nrows[q]
        assert rlo[q] + nrows[q] <= PER
        if q == WORKERS_PER_GRAPH - 1:
            assert cols[sl].min() >= PER // 2
            idx[q, :OUT_PER_W] = ((rows[sl] - rlo[q]) * PER
                                  + (cols[sl] - PER // 2))
        else:
            idx[q, :OUT_PER_W] = (rows[sl] - rlo[q]) * PER + cols[sl]
    assert idx.min() >= 0 and idx.max() < WIN_ROWS * PER
    return rlo, nrows, nr1, idx


_RLO_NP, _NROWS_NP, _NR1_NP, _IDX_NP = _build_triu_tables()


def _tc_body(t_ref, idx_ref, x_ref, wn_ref, bn_ref, w1_ref, b1_ref, w2_ref,
             b2_ref, sims_ref, idxo_hbm, sem_idx):
    idx_cp = pltpu.make_async_copy(idx_ref, idxo_hbm, sem_idx)
    idx_cp.start()

    half = TDIM // 2
    freqs_col = jnp.exp(
        lax.broadcasted_iota(jnp.int32, (half, 1), 0).astype(jnp.float32)
        * (-math.log(10000.0) / (half - 1)))
    ang_t = freqs_col * t_ref[...]
    pe_t = jnp.concatenate([jnp.sin(ang_t), jnp.cos(ang_t)], axis=0)
    h = lax.dot_general(pe_t, w1_ref[...], (((0,), (0,)), ((), ())),
                        preferred_element_type=jnp.float32) + b1_ref[...]
    h = h * 0.5 * (1.0 + lax.erf(h / np.sqrt(2.0).astype(np.float32)))
    temb = jnp.dot(h, w2_ref[...], preferred_element_type=jnp.float32) + b2_ref[...]
    c = jnp.sum(temb * temb, axis=1, keepdims=True)

    for g in range(B):
        ag = jnp.dot(x_ref[pl.ds(g * PER, PER), :], wn_ref[...],
                     preferred_element_type=jnp.float32) + bn_ref[...]
        sims_ref[g] = lax.dot_general(
            ag, ag, (((1,), (1,)), ((), ())),
            preferred_element_type=jnp.float32) + c[g:g + 1, 0:1]
    idx_cp.wait()


def _tc_sims(x, t, W_node, b_node, W1, b1, W2, b2):
    hbm = pl.BlockSpec(memory_space=pltpu.MemorySpace.HBM)
    vmem = pl.BlockSpec(memory_space=pltpu.MemorySpace.VMEM)
    return pl.pallas_call(
        _tc_body,
        in_specs=[vmem, vmem, vmem, vmem, vmem, vmem, vmem, vmem, vmem],
        out_specs=[vmem, hbm],
        out_shape=[jax.ShapeDtypeStruct((B, PER, PER), jnp.float32),
                   pltpu.MemorySpace.HBM((WORKERS_PER_GRAPH * OUT_PAD,),
                                         jnp.int32)],
        scratch_shapes=[
            pltpu.SemaphoreType.DMA,
        ],
        compiler_params=pltpu.CompilerParams(
            disable_bounds_checks=True,
            disable_semaphore_checks=True),
    )(t.reshape(1, B), jnp.asarray(_IDX_NP).reshape(-1), x, W_node,
      b_node.reshape(1, TDIM), W1, b1.reshape(1, 4 * TDIM), W2,
      b2.reshape(1, TDIM))


def _sc_extract_body(sims_hbm, idx_hbm, out_hbm, rows_v, idx_v, out_v,
                     sem_rows, sem_idx, sem_r2):
    wid = lax.axis_index("s") * 2 + lax.axis_index("c")
    g = wid // WORKERS_PER_GRAPH
    q = wid % WORKERS_PER_GRAPH
    idx_cp = pltpu.async_copy(idx_hbm.at[pl.ds(q * OUT_PAD, OUT_PAD)], idx_v,
                              sem_idx)
    def row_copy(qs, r0, nr, sem):
        if qs == WORKERS_PER_GRAPH - 1:
            return pltpu.make_async_copy(
                sims_hbm.at[g, pl.ds(int(_RLO_NP[qs]) + r0, nr),
                            pl.ds(PER // 2, PER // 2)],
                rows_v.at[pl.ds(r0, nr), pl.ds(0, PER // 2)], sem)
        return pltpu.make_async_copy(
            sims_hbm.at[g, pl.ds(int(_RLO_NP[qs]) + r0, nr), :],
            rows_v.at[pl.ds(r0, nr), :], sem)

    def stage2(qs):
        n1 = int(_NR1_NP[qs])
        return row_copy(qs, n1, int(_NROWS_NP[qs]) - n1, sem_r2)

    for qs in range(WORKERS_PER_GRAPH):
        @pl.when(q == qs)
        def _(qs=qs):
            stage2(qs).start()
            cp1 = row_copy(qs, 0, int(_NR1_NP[qs]), sem_rows)
            cp1.start()
            cp1.wait()
    idx_cp.wait()

    out_off = g * TRI + q * OUT_PER_W
    HALF = OUT_PAD // 2

    @plsc.parallel_loop(0, HALF, 16, unroll=8)
    def _(i):
        iv = idx_v[pl.ds(i, 16)]
        r = lax.shift_right_logical(iv, 8)
        c = lax.bitwise_and(iv, 255)
        out_v[pl.ds(i, 16)] = plsc.load_gather(rows_v, [r, c])

    for qs in range(WORKERS_PER_GRAPH):
        @pl.when(q == qs)
        def _(qs=qs):
            stage2(qs).wait()

    out_cp = pltpu.async_copy(out_v.at[pl.ds(0, HALF)],
                              out_hbm.at[pl.ds(out_off, HALF)], sem_rows)

    @plsc.parallel_loop(HALF, OUT_PAD, 16, unroll=8)
    def _(i):
        iv = idx_v[pl.ds(i, 16)]
        r = lax.shift_right_logical(iv, 8)
        c = lax.bitwise_and(iv, 255)
        out_v[pl.ds(i, 16)] = plsc.load_gather(rows_v, [r, c])

    out_cp.wait()
    pltpu.sync_copy(out_v.at[pl.ds(HALF, OUT_PER_W - HALF)],
                    out_hbm.at[pl.ds(out_off + HALF, OUT_PER_W - HALF)])


@functools.lru_cache(maxsize=None)
def _get_sc_extract():
    mesh = plsc.VectorSubcoreMesh(
        core_axis_name="c", subcore_axis_name="s",
        num_cores=2, num_subcores=16)
    return pl.kernel(
        _sc_extract_body,
        out_type=jax.ShapeDtypeStruct((B * TRI,), jnp.float32),
        mesh=mesh,
        compiler_params=pltpu.CompilerParams(
            needs_layout_passes=False,
            disable_bounds_checks=True,
            disable_semaphore_checks=True),
        scratch_types=[
            pltpu.VMEM((WIN_ROWS, PER), jnp.float32),
            pltpu.VMEM((OUT_PAD,), jnp.int32),
            pltpu.VMEM((OUT_PAD,), jnp.float32),
            pltpu.SemaphoreType.DMA,
            pltpu.SemaphoreType.DMA,
            pltpu.SemaphoreType.DMA,
        ],
    )


def kernel(x, t, graph_sizes, W_node, b_node, W1, b1, W2, b2):
    sims, idx = _tc_sims(x, t, W_node, b_node, W1, b1, W2, b2)
    sims = pltpu.with_memory_space_constraint(sims, pltpu.MemorySpace.HBM)
    idx = pltpu.with_memory_space_constraint(idx, pltpu.MemorySpace.HBM)
    return _get_sc_extract()(sims, idx)

# --- scband reference (transcript-rebuilt; emitter-appended) ---
"""Pipeline reference for scband-link-predictor-4836133175296 (READ-ONLY COPY).

The authoritative reference and input builder live on the scoring server;
editing this copy changes nothing except your own understanding.
"""

import math
import jax, jax.numpy as jnp
import numpy as np

B = 8
PER = 256
N = B * PER
FEAT = 512
TDIM = 256

def _init(key, shape, scale=0.02):
    return (jax.random.normal(key, shape, dtype=jnp.float32) * scale).astype(jnp.float32)

def setup_inputs(seed: int = 0) -> dict:
    key = jax.random.key(seed)
    ks = jax.random.split(key, 8)
    x = jax.random.normal(ks[0], (N, FEAT), dtype=jnp.float32)
    t = jax.random.uniform(ks[1], (B,), dtype=jnp.float32, minval=0.0, maxval=1000.0)
    graph_sizes = jnp.full((B,), PER, dtype=jnp.int32)
    W_node = _init(ks[2], (FEAT, TDIM))
    b_node = jnp.zeros((TDIM,), dtype=jnp.float32)
    W1 = _init(ks[3], (TDIM, TDIM * 4))
    b1 = jnp.zeros((TDIM * 4,), dtype=jnp.float32)
    W2 = _init(ks[4], (TDIM * 4, TDIM))
    b2 = jnp.zeros((TDIM,), dtype=jnp.float32)
    return {"x": x, "t": t, "graph_sizes": graph_sizes,
            "W_node": W_node, "b_node": b_node,
            "W1": W1, "b1": b1, "W2": W2, "b2": b2}

def _sinusoidal_pos_emb(t, dim):
    half_dim = dim // 2
    emb = math.log(10000) / (half_dim - 1)
    emb = jnp.exp(jnp.arange(half_dim, dtype=jnp.float32) * -emb)
    emb = t[:, None] * emb[None, :]
    return jnp.concatenate([jnp.sin(emb), jnp.cos(emb)], axis=-1)

def _triu_blockdiag_indices(sizes):
    n = int(np.sum(sizes))
    mask = np.zeros((n, n), dtype=bool)
    off = 0
    for s in sizes:
        s = int(s)
        mask[off:off + s, off:off + s] = np.triu(np.ones((s, s), dtype=bool), k=1)
        off += s
    return np.nonzero(mask.ravel())[0]

def reference(x, t, graph_sizes, W_node, b_node, W1, b1, W2, b2):
    # node embedder (Linear feature_dim -> time_dim)
    node_emb = x @ W_node + b_node
    # time embedder: SinusoidalPosEmb -> Linear -> GELU -> Linear
    temb = _sinusoidal_pos_emb(t, W_node.shape[1])
    temb = jax.nn.gelu(temb @ W1 + b1, approximate=False)
    temb = temb @ W2 + b2
    # repeat_interleave to align with nodes
    n_total = x.shape[0]
    temb = jnp.repeat(temb, graph_sizes, axis=0, total_repeat_length=n_total)
    embeddings = jnp.concatenate([node_emb, temb], axis=-1)
    # self similarities (N x N dot products)
    sims = embeddings @ embeddings.T
    # block-diagonal strict upper-triangular mask extraction
    n_graphs = graph_sizes.shape[0]
    idx = _triu_blockdiag_indices(np.full((n_graphs,), n_total // n_graphs, dtype=np.int64))
    flattened_adj_soft = jnp.take(sims.ravel(), jnp.asarray(idx))
    return flattened_adj_soft

if __name__ == "__main__":
    import jax
    _d = setup_inputs()
    print(jax.jit(kernel)(*tuple(_d.values())))

</pallas_src>

<mosaic_0001>
#map = affine_map<(d0, d1) -> (0, 0, 0)>
#map1 = affine_map<(d0, d1) -> (0)>
module attributes {stable_mosaic.version = 14 : i64} {
  func.func @_sc_extract_body(%arg0: i32, %arg1: i32, %arg2: memref<8x256x256xf32, #tpu.memory_space<hbm>>, %arg3: memref<32768xi32, #tpu.memory_space<hbm>>, %arg4: memref<261120xf32, #tpu.memory_space<hbm>>, %arg5: memref<136x256xf32, #tpu.memory_space<vmem>>, %arg6: memref<8192xi32, #tpu.memory_space<vmem>>, %arg7: memref<8192xf32, #tpu.memory_space<vmem>>, %arg8: memref<!tpu.dma_semaphore, #tpu.memory_space<semaphore_mem>>, %arg9: memref<!tpu.dma_semaphore, #tpu.memory_space<semaphore_mem>>, %arg10: memref<!tpu.dma_semaphore, #tpu.memory_space<semaphore_mem>>) attributes {dimension_semantics = [#tpu.dimension_semantics<core_parallel>, #tpu.dimension_semantics<subcore_parallel>], iteration_bounds = array<i64: 2, 16>, scalar_prefetch = 0 : i64, scratch_operands = 6 : i64, tpu.core_type = #tpu.core_type<sc_vector_subcore>, window_params = [{transform_indices = #map}, {transform_indices = #map1}, {transform_indices = #map1}]} {
    %mul3A = arith.constant 2 : i32
    %mul3A_0 = arith.muli %arg1, %mul3A : i32
    %add3A = arith.addi %mul3A_0, %arg0 : i32
    %jit3A = arith.constant 4 : i32
    %div3A = arith.divsi %add3A, %jit3A : i32
    %sign3A = arith.constant 0 : i32
    %sign3A_1 = arith.cmpi sgt, %add3A, %sign3A : i32
    %sign3A_2 = arith.extui %sign3A_1 : i1 to i32
    %sign3A_3 = arith.constant 0 : i32
    %sign3A_4 = arith.cmpi slt, %add3A, %sign3A_3 : i32
    %sign3A_5 = arith.extui %sign3A_4 : i1 to i32
    %sign3A_6 = arith.subi %sign3A_2, %sign3A_5 : i32
    %sign3A_7 = arith.constant 0 : i32
    %sign3A_8 = arith.cmpi sgt, %jit3A, %sign3A_7 : i32
    %sign3A_9 = arith.extui %sign3A_8 : i1 to i32
    %sign3A_10 = arith.constant 0 : i32
    %sign3A_11 = arith.cmpi slt, %jit3A, %sign3A_10 : i32
    %sign3A_12 = arith.extui %sign3A_11 : i1 to i32
    %sign3A_13 = arith.subi %sign3A_9, %sign3A_12 : i32
    %ne3A = arith.cmpi ne, %sign3A_6, %sign3A_13 : i32
    %rem3A = arith.remsi %add3A, %jit3A : i32
    %ne3A_14 = arith.constant 0 : i32
    %ne3A_15 = arith.cmpi ne, %rem3A, %ne3A_14 : i32
    %and3A = arith.andi %ne3A, %ne3A_15 : i1
    %sub3A = arith.constant 1 : i32
    %sub3A_16 = arith.subi %div3A, %sub3A : i32
    %select_n3A = arith.select %and3A, %sub3A_16, %div3A : i32
    %jit3A_17 = arith.constant 4 : i32
    %eq3A = arith.constant 0 : i32
    %eq3A_18 = arith.cmpi eq, %jit3A_17, %eq3A : i32
    %jit3A_19 = arith.constant 1 : i32
    %select_n3A_20 = arith.select %eq3A_18, %jit3A_19, %jit3A_17 : i32
    %rem3A_21 = arith.remsi %add3A, %select_n3A_20 : i32
    %ne3A_22 = arith.constant 0 : i32
    %ne3A_23 = arith.cmpi ne, %rem3A_21, %ne3A_22 : i32
    %lt3A = arith.constant 0 : i32
    %lt3A_24 = arith.cmpi slt, %rem3A_21, %lt3A : i32
    %lt3A_25 = arith.constant 0 : i32
    %lt3A_26 = arith.cmpi slt, %select_n3A_20, %lt3A_25 : i32
    %ne3A_27 = arith.xori %lt3A_24, %lt3A_26 : i1
    %and3A_28 = arith.andi %ne3A_27, %ne3A_23 : i1
    %add3A_29 = arith.addi %rem3A_21, %select_n3A_20 : i32
    %select_n3A_30 = arith.select %and3A_28, %add3A_29, %rem3A_21 : i32
    %mul3A_31 = arith.constant 8192 : i32
    %mul3A_32 = arith.muli %select_n3A_30, %mul3A_31 : i32
    %dma_start3A = tpu.memref_slice %arg3[%mul3A_32] : memref<32768xi32, #tpu.memory_space<hbm>> -> memref<8192xi32, #tpu.memory_space<hbm>>
    %dma_start3A_33 = tpu.memref_slice %arg3[%mul3A_32] : memref<32768xi32, #tpu.memory_space<hbm>> -> memref<8192xi32, #tpu.memory_space<hbm>>
    tpu.enqueue_dma source(%dma_start3A_33 : memref<8192xi32, #tpu.memory_space<hbm>>) target(%arg6 : memref<8192xi32, #tpu.memory_space<vmem>>) target_semaphore(%arg9 : memref<!tpu.dma_semaphore, #tpu.memory_space<semaphore_mem>>)
    %eq3A_34 = arith.constant 0 : i32
    %eq3A_35 = arith.cmpi eq, %select_n3A_30, %eq3A_34 : i32
    %convert_element_type3A = arith.extui %eq3A_35 : i1 to i32
    %cond3A = arith.constant 0 : i32
    %cond3A_36 = arith.cmpi ne, %convert_element_type3A, %cond3A : i32
    scf.if %cond3A_36 {
      %dma_start3A_97 = arith.constant 24 : i32
      %dma_start3A_98 = arith.constant 0 : i32
      %dma_start3A_99 = tpu.memref_slice %arg5[%dma_start3A_97, %dma_start3A_98] : memref<136x256xf32, #tpu.memory_space<vmem>> -> memref<16x256xf32, #tpu.memory_space<vmem>>
      %dma_start3A_100 = arith.constant 24 : i32
      %dma_start3A_101 = arith.constant 0 : i32
      %dma_start3A_102 = tpu.memref_slice %arg2[%select_n3A, %dma_start3A_100, %dma_start3A_101] : memref<8x256x256xf32, #tpu.memory_space<hbm>> -> memref<1x16x256xf32, #tpu.memory_space<hbm>>
      %dma_start3A_103 = tpu.memref_squeeze %dma_start3A_102 : memref<1x16x256xf32, #tpu.memory_space<hbm>> -> memref<16x256xf32, #tpu.memory_space<hbm>>
      %dma_start3A_104 = arith.constant 24 : i32
      %dma_start3A_105 = arith.constant 0 : i32
      %dma_start3A_106 = tpu.memref_slice %arg5[%dma_start3A_104, %dma_start3A_105] : memref<136x256xf32, #tpu.memory_space<vmem>> -> memref<16x256xf32, #tpu.memory_space<vmem>>
      %dma_start3A_107 = arith.constant 24 : i32
      %dma_start3A_108 = arith.constant 0 : i32
      %dma_start3A_109 = tpu.memref_slice %arg2[%select_n3A, %dma_start3A_107, %dma_start3A_108] : memref<8x256x256xf32, #tpu.memory_space<hbm>> -> memref<1x16x256xf32, #tpu.memory_space<hbm>>
      %dma_start3A_110 = tpu.memref_squeeze %dma_start3A_109 : memref<1x16x256xf32, #tpu.memory_space<hbm>> -> memref<16x256xf32, #tpu.memory_space<hbm>>
      tpu.enqueue_dma source(%dma_start3A_110 : memref<16x256xf32, #tpu.memory_space<hbm>>) target(%dma_start3A_106 : memref<16x256xf32, #tpu.memory_space<vmem>>) target_semaphore(%arg10 : memref<!tpu.dma_semaphore, #tpu.memory_space<semaphore_mem>>)
      %dma_start3A_111 = arith.constant 0 : i32
      %dma_start3A_112 = arith.constant 0 : i32
      %dma_start3A_113 = tpu.memref_slice %arg5[%dma_start3A_111, %dma_start3A_112] : memref<136x256xf32, #tpu.memory_space<vmem>> -> memref<24x256xf32, #tpu.memory_space<vmem>>
      %dma_start3A_114 = arith.constant 0 : i32
      %dma_start3A_115 = arith.constant 0 : i32
      %dma_start3A_116 = tpu.memref_slice %arg2[%select_n3A, %dma_start3A_114, %dma_start3A_115] : memref<8x256x256xf32, #tpu.memory_space<hbm>> -> memref<1x24x256xf32, #tpu.memory_space<hbm>>
      %dma_start3A_117 = tpu.memref_squeeze %dma_start3A_116 : memref<1x24x256xf32, #tpu.memory_space<hbm>> -> memref<24x256xf32, #tpu.memory_space<hbm>>
      %dma_start3A_118 = arith.constant 0 : i32
      %dma_start3A_119 = arith.constant 0 : i32
      %dma_start3A_120 = tpu.memref_slice %arg5[%dma_start3A_118, %dma_start3A_119] : memref<136x256xf32, #tpu.memory_space<vmem>> -> memref<24x256xf32, #tpu.memory_space<vmem>>
      %dma_start3A_121 = arith.constant 0 : i32
      %dma_start3A_122 = arith.constant 0 : i32
      %dma_start3A_123 = tpu.memref_slice %arg2[%select_n3A, %dma_start3A_121, %dma_start3A_122] : memref<8x256x256xf32, #tpu.memory_space<hbm>> -> memref<1x24x256xf32, #tpu.memory_space<hbm>>
      %dma_start3A_124 = tpu.memref_squeeze %dma_start3A_123 : memref<1x24x256xf32, #tpu.memory_space<hbm>> -> memref<24x256xf32, #tpu.memory_space<hbm>>
      tpu.enqueue_dma source(%dma_start3A_124 : memref<24x256xf32, #tpu.memory_space<hbm>>) target(%dma_start3A_120 : memref<24x256xf32, #tpu.memory_space<vmem>>) target_semaphore(%arg8 : memref<!tpu.dma_semaphore, #tpu.memory_space<semaphore_mem>>)
      %dma_wait3A_125 = arith.constant 0 : i32
      %dma_wait3A_126 = arith.constant 0 : i32
      %dma_wait3A_127 = tpu.memref_slice %arg5[%dma_wait3A_125, %dma_wait3A_126] : memref<136x256xf32, #tpu.memory_space<vmem>> -> memref<24x256xf32, #tpu.memory_space<vmem>>
      %dma_wait3A_128 = arith.constant 0 : i32
      %dma_wait3A_129 = arith.constant 0 : i32
      %dma_wait3A_130 = tpu.memref_slice %arg2[%select_n3A, %dma_wait3A_128, %dma_wait3A_129] : memref<8x256x256xf32, #tpu.memory_space<hbm>> -> memref<1x24x256xf32, #tpu.memory_space<hbm>>
      %dma_wait3A_131 = tpu.memref_squeeze %dma_wait3A_130 : memref<1x24x256xf32, #tpu.memory_space<hbm>> -> memref<24x256xf32, #tpu.memory_space<hbm>>
      %dma_wait3A_132 = arith.constant 0 : i32
      %dma_wait3A_133 = arith.constant 0 : i32
      %dma_wait3A_134 = tpu.memref_slice %arg5[%dma_wait3A_132, %dma_wait3A_133] : memref<136x256xf32, #tpu.memory_space<vmem>> -> memref<24x256xf32, #tpu.memory_space<vmem>>
      %dma_wait3A_135 = arith.constant 0 : i32
      %dma_wait3A_136 = arith.constant 0 : i32
      %dma_wait3A_137 = tpu.memref_slice %arg2[%select_n3A, %dma_wait3A_135, %dma_wait3A_136] : memref<8x256x256xf32, #tpu.memory_space<hbm>> -> memref<1x24x256xf32, #tpu.memory_space<hbm>>
      %dma_wait3A_138 = tpu.memref_squeeze %dma_wait3A_137 : memref<1x24x256xf32, #tpu.memory_space<hbm>> -> memref<24x256xf32, #tpu.memory_space<hbm>>
      tpu.wait_dma2 semaphore(%arg8 : memref<!tpu.dma_semaphore, #tpu.memory_space<semaphore_mem>>) src(%dma_wait3A_138 : memref<24x256xf32, #tpu.memory_space<hbm>>) dst(%dma_wait3A_134 : memref<24x256xf32, #tpu.memory_space<vmem>>)
    } else {
    }
    %eq3A_37 = arith.constant 1 : i32
    %eq3A_38 = arith.cmpi eq, %select_n3A_30, %eq3A_37 : i32
    %convert_element_type3A_39 = arith.extui %eq3A_38 : i1 to i32
    %cond3A_40 = arith.constant 0 : i32
    %cond3A_41 = arith.cmpi ne, %convert_element_type3A_39, %cond3A_40 : i32
    scf.if %cond3A_41 {
      %dma_start3A_97 = arith.constant 24 : i32
      %dma_start3A_98 = arith.constant 0 : i32
      %dma_start3A_99 = tpu.memref_slice %arg5[%dma_start3A_97, %dma_start3A_98] : memref<136x256xf32, #tpu.memory_space<vmem>> -> memref<24x256xf32, #tpu.memory_space<vmem>>
      %dma_start3A_100 = arith.constant 56 : i32
      %dma_start3A_101 = arith.constant 0 : i32
      %dma_start3A_102 = tpu.memref_slice %arg2[%select_n3A, %dma_start3A_100, %dma_start3A_101] : memref<8x256x256xf32, #tpu.memory_space<hbm>> -> memref<1x24x256xf32, #tpu.memory_space<hbm>>
      %dma_start3A_103 = tpu.memref_squeeze %dma_start3A_102 : memref<1x24x256xf32, #tpu.memory_space<hbm>> -> memref<24x256xf32, #tpu.memory_space<hbm>>
      %dma_start3A_104 = arith.constant 24 : i32
      %dma_start3A_105 = arith.constant 0 : i32
      %dma_start3A_106 = tpu.memref_slice %arg5[%dma_start3A_104, %dma_start3A_105] : memref<136x256xf32, #tpu.memory_space<vmem>> -> memref<24x256xf32, #tpu.memory_space<vmem>>
      %dma_start3A_107 = arith.constant 56 : i32
      %dma_start3A_108 = arith.constant 0 : i32
      %dma_start3A_109 = tpu.memref_slice %arg2[%select_n3A, %dma_start3A_107, %dma_start3A_108] : memref<8x256x256xf32, #tpu.memory_space<hbm>> -> memref<1x24x256xf32, #tpu.memory_space<hbm>>
      %dma_start3A_110 = tpu.memref_squeeze %dma_start3A_109 : memref<1x24x256xf32, #tpu.memory_space<hbm>> -> memref<24x256xf32, #tpu.memory_space<hbm>>
      tpu.enqueue_dma source(%dma_start3A_110 : memref<24x256xf32, #tpu.memory_space<hbm>>) target(%dma_start3A_106 : memref<24x256xf32, #tpu.memory_space<vmem>>) target_semaphore(%arg10 : memref<!tpu.dma_semaphore, #tpu.memory_space<semaphore_mem>>)
      %dma_start3A_111 = arith.constant 0 : i32
      %dma_start3A_112 = arith.constant 0 : i32
      %dma_start3A_113 = tpu.memref_slice %arg5[%dma_start3A_111, %dma_start3A_112] : memref<136x256xf32, #tpu.memory_space<vmem>> -> memref<24x256xf32, #tpu.memory_space<vmem>>
      %dma_start3A_114 = arith.constant 32 : i32
      %dma_start3A_115 = arith.constant 0 : i32
      %dma_start3A_116 = tpu.memref_slice %arg2[%select_n3A, %dma_start3A_114, %dma_start3A_115] : memref<8x256x256xf32, #tpu.memory_space<hbm>> -> memref<1x24x256xf32, #tpu.memory_space<hbm>>
      %dma_start3A_117 = tpu.memref_squeeze %dma_start3A_116 : memref<1x24x256xf32, #tpu.memory_space<hbm>> -> memref<24x256xf32, #tpu.memory_space<hbm>>
      %dma_start3A_118 = arith.constant 0 : i32
      %dma_start3A_119 = arith.constant 0 : i32
      %dma_start3A_120 = tpu.memref_slice %arg5[%dma_start3A_118, %dma_start3A_119] : memref<136x256xf32, #tpu.memory_space<vmem>> -> memref<24x256xf32, #tpu.memory_space<vmem>>
      %dma_start3A_121 = arith.constant 32 : i32
      %dma_start3A_122 = arith.constant 0 : i32
      %dma_start3A_123 = tpu.memref_slice %arg2[%select_n3A, %dma_start3A_121, %dma_start3A_122] : memref<8x256x256xf32, #tpu.memory_space<hbm>> -> memref<1x24x256xf32, #tpu.memory_space<hbm>>
      %dma_start3A_124 = tpu.memref_squeeze %dma_start3A_123 : memref<1x24x256xf32, #tpu.memory_space<hbm>> -> memref<24x256xf32, #tpu.memory_space<hbm>>
      tpu.enqueue_dma source(%dma_start3A_124 : memref<24x256xf32, #tpu.memory_space<hbm>>) target(%dma_start3A_120 : memref<24x256xf32, #tpu.memory_space<vmem>>) target_semaphore(%arg8 : memref<!tpu.dma_semaphore, #tpu.memory_space<semaphore_mem>>)
      %dma_wait3A_125 = arith.constant 0 : i32
      %dma_wait3A_126 = arith.constant 0 : i32
      %dma_wait3A_127 = tpu.memref_slice %arg5[%dma_wait3A_125, %dma_wait3A_126] : memref<136x256xf32, #tpu.memory_space<vmem>> -> memref<24x256xf32, #tpu.memory_space<vmem>>
      %dma_wait3A_128 = arith.constant 32 : i32
      %dma_wait3A_129 = arith.constant 0 : i32
      %dma_wait3A_130 = tpu.memref_slice %arg2[%select_n3A, %dma_wait3A_128, %dma_wait3A_129] : memref<8x256x256xf32, #tpu.memory_space<hbm>> -> memref<1x24x256xf32, #tpu.memory_space<hbm>>
      %dma_wait3A_131 = tpu.memref_squeeze %dma_wait3A_130 : memref<1x24x256xf32, #tpu.memory_space<hbm>> -> memref<24x256xf32, #tpu.memory_space<hbm>>
      %dma_wait3A_132 = arith.constant 0 : i32
      %dma_wait3A_133 = arith.constant 0 : i32
      %dma_wait3A_134 = tpu.memref_slice %arg5[%dma_wait3A_132, %dma_wait3A_133] : memref<136x256xf32, #tpu.memory_space<vmem>> -> memref<24x256xf32, #tpu.memory_space<vmem>>
      %dma_wait3A_135 = arith.constant 32 : i32
      %dma_wait3A_136 = arith.constant 0 : i32
      %dma_wait3A_137 = tpu.memref_slice %arg2[%select_n3A, %dma_wait3A_135, %dma_wait3A_136] : memref<8x256x256xf32, #tpu.memory_space<hbm>> -> memref<1x24x256xf32, #tpu.memory_space<hbm>>
      %dma_wait3A_138 = tpu.memref_squeeze %dma_wait3A_137 : memref<1x24x256xf32, #tpu.memory_space<hbm>> -> memref<24x256xf32, #tpu.memory_space<hbm>>
      tpu.wait_dma2 semaphore(%arg8 : memref<!tpu.dma_semaphore, #tpu.memory_space<semaphore_mem>>) src(%dma_wait3A_138 : memref<24x256xf32, #tpu.memory_space<hbm>>) dst(%dma_wait3A_134 : memref<24x256xf32, #tpu.memory_space<vmem>>)
    } else {
    }
    %eq3A_42 = arith.constant 2 : i32
    %eq3A_43 = arith.cmpi eq, %select_n3A_30, %eq3A_42 : i32
    %convert_element_type3A_44 = arith.extui %eq3A_43 : i1 to i32
    %cond3A_45 = arith.constant 0 : i32
    %cond3A_46 = arith.cmpi ne, %convert_element_type3A_44, %cond3A_45 : i32
    scf.if %cond3A_46 {
      %dma_start3A_97 = arith.constant 32 : i32
      %dma_start3A_98 = arith.constant 0 : i32
      %dma_start3A_99 = tpu.memref_slice %arg5[%dma_start3A_97, %dma_start3A_98] : memref<136x256xf32, #tpu.memory_space<vmem>> -> memref<24x256xf32, #tpu.memory_space<vmem>>
      %dma_start3A_100 = arith.constant 104 : i32
      %dma_start3A_101 = arith.constant 0 : i32
      %dma_start3A_102 = tpu.memref_slice %arg2[%select_n3A, %dma_start3A_100, %dma_start3A_101] : memref<8x256x256xf32, #tpu.memory_space<hbm>> -> memref<1x24x256xf32, #tpu.memory_space<hbm>>
      %dma_start3A_103 = tpu.memref_squeeze %dma_start3A_102 : memref<1x24x256xf32, #tpu.memory_space<hbm>> -> memref<24x256xf32, #tpu.memory_space<hbm>>
      %dma_start3A_104 = arith.constant 32 : i32
      %dma_start3A_105 = arith.constant 0 : i32
      %dma_start3A_106 = tpu.memref_slice %arg5[%dma_start3A_104, %dma_start3A_105] : memref<136x256xf32, #tpu.memory_space<vmem>> -> memref<24x256xf32, #tpu.memory_space<vmem>>
      %dma_start3A_107 = arith.constant 104 : i32
      %dma_start3A_108 = arith.constant 0 : i32
      %dma_start3A_109 = tpu.memref_slice %arg2[%select_n3A, %dma_start3A_107, %dma_start3A_108] : memref<8x256x256xf32, #tpu.memory_space<hbm>> -> memref<1x24x256xf32, #tpu.memory_space<hbm>>
      %dma_start3A_110 = tpu.memref_squeeze %dma_start3A_109 : memref<1x24x256xf32, #tpu.memory_space<hbm>> -> memref<24x256xf32, #tpu.memory_space<hbm>>
      tpu.enqueue_dma source(%dma_start3A_110 : memref<24x256xf32, #tpu.memory_space<hbm>>) target(%dma_start3A_106 : memref<24x256xf32, #tpu.memory_space<vmem>>) target_semaphore(%arg10 : memref<!tpu.dma_semaphore, #tpu.memory_space<semaphore_mem>>)
      %dma_start3A_111 = arith.constant 0 : i32
      %dma_start3A_112 = arith.constant 0 : i32
      %dma_start3A_113 = tpu.memref_slice %arg5[%dma_start3A_111, %dma_start3A_112] : memref<136x256xf32, #tpu.memory_space<vmem>> -> memref<32x256xf32, #tpu.memory_space<vmem>>
      %dma_start3A_114 = arith.constant 72 : i32
      %dma_start3A_115 = arith.constant 0 : i32
      %dma_start3A_116 = tpu.memref_slice %arg2[%select_n3A, %dma_start3A_114, %dma_start3A_115] : memref<8x256x256xf32, #tpu.memory_space<hbm>> -> memref<1x32x256xf32, #tpu.memory_space<hbm>>
      %dma_start3A_117 = tpu.memref_squeeze %dma_start3A_116 : memref<1x32x256xf32, #tpu.memory_space<hbm>> -> memref<32x256xf32, #tpu.memory_space<hbm>>
      %dma_start3A_118 = arith.constant 0 : i32
      %dma_start3A_119 = arith.constant 0 : i32
      %dma_start3A_120 = tpu.memref_slice %arg5[%dma_start3A_118, %dma_start3A_119] : memref<136x256xf32, #tpu.memory_space<vmem>> -> memref<32x256xf32, #tpu.memory_space<vmem>>
      %dma_start3A_121 = arith.constant 72 : i32
      %dma_start3A_122 = arith.constant 0 : i32
      %dma_start3A_123 = tpu.memref_slice %arg2[%select_n3A, %dma_start3A_121, %dma_start3A_122] : memref<8x256x256xf32, #tpu.memory_space<hbm>> -> memref<1x32x256xf32, #tpu.memory_space<hbm>>
      %dma_start3A_124 = tpu.memref_squeeze %dma_start3A_123 : memref<1x32x256xf32, #tpu.memory_space<hbm>> -> memref<32x256xf32, #tpu.memory_space<hbm>>
      tpu.enqueue_dma source(%dma_start3A_124 : memref<32x256xf32, #tpu.memory_space<hbm>>) target(%dma_start3A_120 : memref<32x256xf32, #tpu.memory_space<vmem>>) target_semaphore(%arg8 : memref<!tpu.dma_semaphore, #tpu.memory_space<semaphore_mem>>)
      %dma_wait3A_125 = arith.constant 0 : i32
      %dma_wait3A_126 = arith.constant 0 : i32
      %dma_wait3A_127 = tpu.memref_slice %arg5[%dma_wait3A_125, %dma_wait3A_126] : memref<136x256xf32, #tpu.memory_space<vmem>> -> memref<32x256xf32, #tpu.memory_space<vmem>>
      %dma_wait3A_128 = arith.constant 72 : i32
      %dma_wait3A_129 = arith.constant 0 : i32
      %dma_wait3A_130 = tpu.memref_slice %arg2[%select_n3A, %dma_wait3A_128, %dma_wait3A_129] : memref<8x256x256xf32, #tpu.memory_space<hbm>> -> memref<1x32x256xf32, #tpu.memory_space<hbm>>
      %dma_wait3A_131 = tpu.memref_squeeze %dma_wait3A_130 : memref<1x32x256xf32, #tpu.memory_space<hbm>> -> memref<32x256xf32, #tpu.memory_space<hbm>>
      %dma_wait3A_132 = arith.constant 0 : i32
      %dma_wait3A_133 = arith.constant 0 : i32
      %dma_wait3A_134 = tpu.memref_slice %arg5[%dma_wait3A_132, %dma_wait3A_133] : memref<136x256xf32, #tpu.memory_space<vmem>> -> memref<32x256xf32, #tpu.memory_space<vmem>>
      %dma_wait3A_135 = arith.constant 72 : i32
      %dma_wait3A_136 = arith.constant 0 : i32
      %dma_wait3A_137 = tpu.memref_slice %arg2[%select_n3A, %dma_wait3A_135, %dma_wait3A_136] : memref<8x256x256xf32, #tpu.memory_space<hbm>> -> memref<1x32x256xf32, #tpu.memory_space<hbm>>
      %dma_wait3A_138 = tpu.memref_squeeze %dma_wait3A_137 : memref<1x32x256xf32, #tpu.memory_space<hbm>> -> memref<32x256xf32, #tpu.memory_space<hbm>>
      tpu.wait_dma2 semaphore(%arg8 : memref<!tpu.dma_semaphore, #tpu.memory_space<semaphore_mem>>) src(%dma_wait3A_138 : memref<32x256xf32, #tpu.memory_space<hbm>>) dst(%dma_wait3A_134 : memref<32x256xf32, #tpu.memory_space<vmem>>)
    } else {
    }
    %eq3A_47 = arith.constant 3 : i32
    %eq3A_48 = arith.cmpi eq, %select_n3A_30, %eq3A_47 : i32
    %convert_element_type3A_49 = arith.extui %eq3A_48 : i1 to i32
    %cond3A_50 = arith.constant 0 : i32
    %cond3A_51 = arith.cmpi ne, %convert_element_type3A_49, %cond3A_50 : i32
    scf.if %cond3A_51 {
      %dma_start3A_97 = arith.constant 48 : i32
      %dma_start3A_98 = arith.constant 0 : i32
      %dma_start3A_99 = tpu.memref_slice %arg5[%dma_start3A_97, %dma_start3A_98] : memref<136x256xf32, #tpu.memory_space<vmem>> -> memref<88x128xf32, #tpu.memory_space<vmem>>
      %dma_start3A_100 = arith.constant 168 : i32
      %dma_start3A_101 = arith.constant 128 : i32
      %dma_start3A_102 = tpu.memref_slice %arg2[%select_n3A, %dma_start3A_100, %dma_start3A_101] : memref<8x256x256xf32, #tpu.memory_space<hbm>> -> memref<1x88x128xf32, #tpu.memory_space<hbm>>
      %dma_start3A_103 = tpu.memref_squeeze %dma_start3A_102 : memref<1x88x128xf32, #tpu.memory_space<hbm>> -> memref<88x128xf32, #tpu.memory_space<hbm>>
      %dma_start3A_104 = arith.constant 48 : i32
      %dma_start3A_105 = arith.constant 0 : i32
      %dma_start3A_106 = tpu.memref_slice %arg5[%dma_start3A_104, %dma_start3A_105] : memref<136x256xf32, #tpu.memory_space<vmem>> -> memref<88x128xf32, #tpu.memory_space<vmem>>
      %dma_start3A_107 = arith.constant 168 : i32
      %dma_start3A_108 = arith.constant 128 : i32
      %dma_start3A_109 = tpu.memref_slice %arg2[%select_n3A, %dma_start3A_107, %dma_start3A_108] : memref<8x256x256xf32, #tpu.memory_space<hbm>> -> memref<1x88x128xf32, #tpu.memory_space<hbm>>
      %dma_start3A_110 = tpu.memref_squeeze %dma_start3A_109 : memref<1x88x128xf32, #tpu.memory_space<hbm>> -> memref<88x128xf32, #tpu.memory_space<hbm>>
      tpu.enqueue_dma source(%dma_start3A_110 : memref<88x128xf32, #tpu.memory_space<hbm>>) target(%dma_start3A_106 : memref<88x128xf32, #tpu.memory_space<vmem>>) target_semaphore(%arg10 : memref<!tpu.dma_semaphore, #tpu.memory_space<semaphore_mem>>)
      %dma_start3A_111 = arith.constant 0 : i32
      %dma_start3A_112 = arith.constant 0 : i32
      %dma_start3A_113 = tpu.memref_slice %arg5[%dma_start3A_111, %dma_start3A_112] : memref<136x256xf32, #tpu.memory_space<vmem>> -> memref<48x128xf32, #tpu.memory_space<vmem>>
      %dma_start3A_114 = arith.constant 120 : i32
      %dma_start3A_115 = arith.constant 128 : i32
      %dma_start3A_116 = tpu.memref_slice %arg2[%select_n3A, %dma_start3A_114, %dma_start3A_115] : memref<8x256x256xf32, #tpu.memory_space<hbm>> -> memref<1x48x128xf32, #tpu.memory_space<hbm>>
      %dma_start3A_117 = tpu.memref_squeeze %dma_start3A_116 : memref<1x48x128xf32, #tpu.memory_space<hbm>> -> memref<48x128xf32, #tpu.memory_space<hbm>>
      %dma_start3A_118 = arith.constant 0 : i32
      %dma_start3A_119 = arith.constant 0 : i32
      %dma_start3A_120 = tpu.memref_slice %arg5[%dma_start3A_118, %dma_start3A_119] : memref<136x256xf32, #tpu.memory_space<vmem>> -> memref<48x128xf32, #tpu.memory_space<vmem>>
      %dma_start3A_121 = arith.constant 120 : i32
      %dma_start3A_122 = arith.constant 128 : i32
      %dma_start3A_123 = tpu.memref_slice %arg2[%select_n3A, %dma_start3A_121, %dma_start3A_122] : memref<8x256x256xf32, #tpu.memory_space<hbm>> -> memref<1x48x128xf32, #tpu.memory_space<hbm>>
      %dma_start3A_124 = tpu.memref_squeeze %dma_start3A_123 : memref<1x48x128xf32, #tpu.memory_space<hbm>> -> memref<48x128xf32, #tpu.memory_space<hbm>>
      tpu.enqueue_dma source(%dma_start3A_124 : memref<48x128xf32, #tpu.memory_space<hbm>>) target(%dma_start3A_120 : memref<48x128xf32, #tpu.memory_space<vmem>>) target_semaphore(%arg8 : memref<!tpu.dma_semaphore, #tpu.memory_space<semaphore_mem>>)
      %dma_wait3A_125 = arith.constant 0 : i32
      %dma_wait3A_126 = arith.constant 0 : i32
      %dma_wait3A_127 = tpu.memref_slice %arg5[%dma_wait3A_125, %dma_wait3A_126] : memref<136x256xf32, #tpu.memory_space<vmem>> -> memref<48x128xf32, #tpu.memory_space<vmem>>
      %dma_wait3A_128 = arith.constant 120 : i32
      %dma_wait3A_129 = arith.constant 128 : i32
      %dma_wait3A_130 = tpu.memref_slice %arg2[%select_n3A, %dma_wait3A_128, %dma_wait3A_129] : memref<8x256x256xf32, #tpu.memory_space<hbm>> -> memref<1x48x128xf32, #tpu.memory_space<hbm>>
      %dma_wait3A_131 = tpu.memref_squeeze %dma_wait3A_130 : memref<1x48x128xf32, #tpu.memory_space<hbm>> -> memref<48x128xf32, #tpu.memory_space<hbm>>
      %dma_wait3A_132 = arith.constant 0 : i32
      %dma_wait3A_133 = arith.constant 0 : i32
      %dma_wait3A_134 = tpu.memref_slice %arg5[%dma_wait3A_132, %dma_wait3A_133] : memref<136x256xf32, #tpu.memory_space<vmem>> -> memref<48x128xf32, #tpu.memory_space<vmem>>
      %dma_wait3A_135 = arith.constant 120 : i32
      %dma_wait3A_136 = arith.constant 128 : i32
      %dma_wait3A_137 = tpu.memref_slice %arg2[%select_n3A, %dma_wait3A_135, %dma_wait3A_136] : memref<8x256x256xf32, #tpu.memory_space<hbm>> -> memref<1x48x128xf32, #tpu.memory_space<hbm>>
      %dma_wait3A_138 = tpu.memref_squeeze %dma_wait3A_137 : memref<1x48x128xf32, #tpu.memory_space<hbm>> -> memref<48x128xf32, #tpu.memory_space<hbm>>
      tpu.wait_dma2 semaphore(%arg8 : memref<!tpu.dma_semaphore, #tpu.memory_space<semaphore_mem>>) src(%dma_wait3A_138 : memref<48x128xf32, #tpu.memory_space<hbm>>) dst(%dma_wait3A_134 : memref<48x128xf32, #tpu.memory_space<vmem>>)
    } else {
    }
    %dma_wait3A = tpu.memref_slice %arg3[%mul3A_32] : memref<32768xi32, #tpu.memory_space<hbm>> -> memref<8192xi32, #tpu.memory_space<hbm>>
    %dma_wait3A_52 = tpu.memref_slice %arg3[%mul3A_32] : memref<32768xi32, #tpu.memory_space<hbm>> -> memref<8192xi32, #tpu.memory_space<hbm>>
    tpu.wait_dma2 semaphore(%arg9 : memref<!tpu.dma_semaphore, #tpu.memory_space<semaphore_mem>>) src(%dma_wait3A_52 : memref<8192xi32, #tpu.memory_space<hbm>>) dst(%arg6 : memref<8192xi32, #tpu.memory_space<vmem>>)
    %mul3A_53 = arith.constant 32640 : i32
    %mul3A_54 = arith.muli %select_n3A, %mul3A_53 : i32
    %mul3A_55 = arith.constant 8160 : i32
    %mul3A_56 = arith.muli %select_n3A_30, %mul3A_55 : i32
    %add3A_57 = arith.addi %mul3A_54, %mul3A_56 : i32
    %parallel_loop3A = arith.constant 0 : i32
    %parallel_loop3A_58 = arith.constant 4096 : i32
    %parallel_loop3A_59 = arith.constant 16 : i32
    scf.for %parallel_loop3A_97 = %parallel_loop3A to %parallel_loop3A_58 step %parallel_loop3A_59  : i32 {
      %parallel_loop3A_98 = arith.index_cast %parallel_loop3A_97 : i32 to index
      %parallel_loop3A_99 = tpu.vector_load %arg6[%parallel_loop3A_98] {strides = array<i32>} : memref<8192xi32, #tpu.memory_space<vmem>>, vector<16xi32>,
      %parallel_loop3A_100 = arith.constant 8 : i32
      %parallel_loop3A_101 = vector.broadcast %parallel_loop3A_100 : i32 to vector<16xi32>
      %parallel_loop3A_102 = arith.shrui %parallel_loop3A_99, %parallel_loop3A_101 : vector<16xi32>
      %parallel_loop3A_103 = arith.constant 255 : i32
      %parallel_loop3A_104 = vector.broadcast %parallel_loop3A_103 : i32 to vector<16xi32>
      %parallel_loop3A_105 = arith.andi %parallel_loop3A_99, %parallel_loop3A_104 : vector<16xi32>
      %parallel_loop3A_106 = tpu.vector_load_idx %arg5[%parallel_loop3A_102, %parallel_loop3A_105] : memref<136x256xf32, #tpu.memory_space<vmem>>[vector<16xi32>, vector<16xi32>], vector<16xf32>,
      %parallel_loop3A_107 = arith.index_cast %parallel_loop3A_97 : i32 to index
      %parallel_loop3A_108 = tpu.vector_load %arg7[%parallel_loop3A_107] {strides = array<i32>} : memref<8192xf32, #tpu.memory_space<vmem>>, vector<16xf32>,
      tpu.vector_store %arg7[%parallel_loop3A_107], %parallel_loop3A_106 {strides = array<i32>} : memref<8192xf32, #tpu.memory_space<vmem>>, vector<16xf32>,
    } {sc.loop_unroll_factor = 8 : i64, sc.parallel_access}
    %eq3A_60 = arith.constant 0 : i32
    %eq3A_61 = arith.cmpi eq, %select_n3A_30, %eq3A_60 : i32
    %convert_element_type3A_62 = arith.extui %eq3A_61 : i1 to i32
    %cond3A_63 = arith.constant 0 : i32
    %cond3A_64 = arith.cmpi ne, %convert_element_type3A_62, %cond3A_63 : i32
    scf.if %cond3A_64 {
      %dma_wait3A_97 = arith.constant 24 : i32
      %dma_wait3A_98 = arith.constant 0 : i32
      %dma_wait3A_99 = tpu.memref_slice %arg5[%dma_wait3A_97, %dma_wait3A_98] : memref<136x256xf32, #tpu.memory_space<vmem>> -> memref<16x256xf32, #tpu.memory_space<vmem>>
      %dma_wait3A_100 = arith.constant 24 : i32
      %dma_wait3A_101 = arith.constant 0 : i32
      %dma_wait3A_102 = tpu.memref_slice %arg2[%select_n3A, %dma_wait3A_100, %dma_wait3A_101] : memref<8x256x256xf32, #tpu.memory_space<hbm>> -> memref<1x16x256xf32, #tpu.memory_space<hbm>>
      %dma_wait3A_103 = tpu.memref_squeeze %dma_wait3A_102 : memref<1x16x256xf32, #tpu.memory_space<hbm>> -> memref<16x256xf32, #tpu.memory_space<hbm>>
      %dma_wait3A_104 = arith.constant 24 : i32
      %dma_wait3A_105 = arith.constant 0 : i32
      %dma_wait3A_106 = tpu.memref_slice %arg5[%dma_wait3A_104, %dma_wait3A_105] : memref<136x256xf32, #tpu.memory_space<vmem>> -> memref<16x256xf32, #tpu.memory_space<vmem>>
      %dma_wait3A_107 = arith.constant 24 : i32
      %dma_wait3A_108 = arith.constant 0 : i32
      %dma_wait3A_109 = tpu.memref_slice %arg2[%select_n3A, %dma_wait3A_107, %dma_wait3A_108] : memref<8x256x256xf32, #tpu.memory_space<hbm>> -> memref<1x16x256xf32, #tpu.memory_space<hbm>>
      %dma_wait3A_110 = tpu.memref_squeeze %dma_wait3A_109 : memref<1x16x256xf32, #tpu.memory_space<hbm>> -> memref<16x256xf32, #tpu.memory_space<hbm>>
      tpu.wait_dma2 semaphore(%arg10 : memref<!tpu.dma_semaphore, #tpu.memory_space<semaphore_mem>>) src(%dma_wait3A_110 : memref<16x256xf32, #tpu.memory_space<hbm>>) dst(%dma_wait3A_106 : memref<16x256xf32, #tpu.memory_space<vmem>>)
    } else {
    }
    %eq3A_65 = arith.constant 1 : i32
    %eq3A_66 = arith.cmpi eq, %select_n3A_30, %eq3A_65 : i32
    %convert_element_type3A_67 = arith.extui %eq3A_66 : i1 to i32
    %cond3A_68 = arith.constant 0 : i32
    %cond3A_69 = arith.cmpi ne, %convert_element_type3A_67, %cond3A_68 : i32
    scf.if %cond3A_69 {
      %dma_wait3A_97 = arith.constant 24 : i32
      %dma_wait3A_98 = arith.constant 0 : i32
      %dma_wait3A_99 = tpu.memref_slice %arg5[%dma_wait3A_97, %dma_wait3A_98] : memref<136x256xf32, #tpu.memory_space<vmem>> -> memref<24x256xf32, #tpu.memory_space<vmem>>
      %dma_wait3A_100 = arith.constant 56 : i32
      %dma_wait3A_101 = arith.constant 0 : i32
      %dma_wait3A_102 = tpu.memref_slice %arg2[%select_n3A, %dma_wait3A_100, %dma_wait3A_101] : memref<8x256x256xf32, #tpu.memory_space<hbm>> -> memref<1x24x256xf32, #tpu.memory_space<hbm>>
      %dma_wait3A_103 = tpu.memref_squeeze %dma_wait3A_102 : memref<1x24x256xf32, #tpu.memory_space<hbm>> -> memref<24x256xf32, #tpu.memory_space<hbm>>
      %dma_wait3A_104 = arith.constant 24 : i32
      %dma_wait3A_105 = arith.constant 0 : i32
      %dma_wait3A_106 = tpu.memref_slice %arg5[%dma_wait3A_104, %dma_wait3A_105] : memref<136x256xf32, #tpu.memory_space<vmem>> -> memref<24x256xf32, #tpu.memory_space<vmem>>
      %dma_wait3A_107 = arith.constant 56 : i32
      %dma_wait3A_108 = arith.constant 0 : i32
      %dma_wait3A_109 = tpu.memref_slice %arg2[%select_n3A, %dma_wait3A_107, %dma_wait3A_108] : memref<8x256x256xf32, #tpu.memory_space<hbm>> -> memref<1x24x256xf32, #tpu.memory_space<hbm>>
      %dma_wait3A_110 = tpu.memref_squeeze %dma_wait3A_109 : memref<1x24x256xf32, #tpu.memory_space<hbm>> -> memref<24x256xf32, #tpu.memory_space<hbm>>
      tpu.wait_dma2 semaphore(%arg10 : memref<!tpu.dma_semaphore, #tpu.memory_space<semaphore_mem>>) src(%dma_wait3A_110 : memref<24x256xf32, #tpu.memory_space<hbm>>) dst(%dma_wait3A_106 : memref<24x256xf32, #tpu.memory_space<vmem>>)
    } else {
    }
    %eq3A_70 = arith.constant 2 : i32
    %eq3A_71 = arith.cmpi eq, %select_n3A_30, %eq3A_70 : i32
    %convert_element_type3A_72 = arith.extui %eq3A_71 : i1 to i32
    %cond3A_73 = arith.constant 0 : i32
    %cond3A_74 = arith.cmpi ne, %convert_element_type3A_72, %cond3A_73 : i32
    scf.if %cond3A_74 {
      %dma_wait3A_97 = arith.constant 32 : i32
      %dma_wait3A_98 = arith.constant 0 : i32
      %dma_wait3A_99 = tpu.memref_slice %arg5[%dma_wait3A_97, %dma_wait3A_98] : memref<136x256xf32, #tpu.memory_space<vmem>> -> memref<24x256xf32, #tpu.memory_space<vmem>>
      %dma_wait3A_100 = arith.constant 104 : i32
      %dma_wait3A_101 = arith.constant 0 : i32
      %dma_wait3A_102 = tpu.memref_slice %arg2[%select_n3A, %dma_wait3A_100, %dma_wait3A_101] : memref<8x256x256xf32, #tpu.memory_space<hbm>> -> memref<1x24x256xf32, #tpu.memory_space<hbm>>
      %dma_wait3A_103 = tpu.memref_squeeze %dma_wait3A_102 : memref<1x24x256xf32, #tpu.memory_space<hbm>> -> memref<24x256xf32, #tpu.memory_space<hbm>>
      %dma_wait3A_104 = arith.constant 32 : i32
      %dma_wait3A_105 = arith.constant 0 : i32
      %dma_wait3A_106 = tpu.memref_slice %arg5[%dma_wait3A_104, %dma_wait3A_105] : memref<136x256xf32, #tpu.memory_space<vmem>> -> memref<24x256xf32, #tpu.memory_space<vmem>>
      %dma_wait3A_107 = arith.constant 104 : i32
      %dma_wait3A_108 = arith.constant 0 : i32
      %dma_wait3A_109 = tpu.memref_slice %arg2[%select_n3A, %dma_wait3A_107, %dma_wait3A_108] : memref<8x256x256xf32, #tpu.memory_space<hbm>> -> memref<1x24x256xf32, #tpu.memory_space<hbm>>
      %dma_wait3A_110 = tpu.memref_squeeze %dma_wait3A_109 : memref<1x24x256xf32, #tpu.memory_space<hbm>> -> memref<24x256xf32, #tpu.memory_space<hbm>>
      tpu.wait_dma2 semaphore(%arg10 : memref<!tpu.dma_semaphore, #tpu.memory_space<semaphore_mem>>) src(%dma_wait3A_110 : memref<24x256xf32, #tpu.memory_space<hbm>>) dst(%dma_wait3A_106 : memref<24x256xf32, #tpu.memory_space<vmem>>)
    } else {
    }
    %eq3A_75 = arith.constant 3 : i32
    %eq3A_76 = arith.cmpi eq, %select_n3A_30, %eq3A_75 : i32
    %convert_element_type3A_77 = arith.extui %eq3A_76 : i1 to i32
    %cond3A_78 = arith.constant 0 : i32
    %cond3A_79 = arith.cmpi ne, %convert_element_type3A_77, %cond3A_78 : i32
    scf.if %cond3A_79 {
      %dma_wait3A_97 = arith.constant 48 : i32
      %dma_wait3A_98 = arith.constant 0 : i32
      %dma_wait3A_99 = tpu.memref_slice %arg5[%dma_wait3A_97, %dma_wait3A_98] : memref<136x256xf32, #tpu.memory_space<vmem>> -> memref<88x128xf32, #tpu.memory_space<vmem>>
      %dma_wait3A_100 = arith.constant 168 : i32
      %dma_wait3A_101 = arith.constant 128 : i32
      %dma_wait3A_102 = tpu.memref_slice %arg2[%select_n3A, %dma_wait3A_100, %dma_wait3A_101] : memref<8x256x256xf32, #tpu.memory_space<hbm>> -> memref<1x88x128xf32, #tpu.memory_space<hbm>>
      %dma_wait3A_103 = tpu.memref_squeeze %dma_wait3A_102 : memref<1x88x128xf32, #tpu.memory_space<hbm>> -> memref<88x128xf32, #tpu.memory_space<hbm>>
      %dma_wait3A_104 = arith.constant 48 : i32
      %dma_wait3A_105 = arith.constant 0 : i32
      %dma_wait3A_106 = tpu.memref_slice %arg5[%dma_wait3A_104, %dma_wait3A_105] : memref<136x256xf32, #tpu.memory_space<vmem>> -> memref<88x128xf32, #tpu.memory_space<vmem>>
      %dma_wait3A_107 = arith.constant 168 : i32
      %dma_wait3A_108 = arith.constant 128 : i32
      %dma_wait3A_109 = tpu.memref_slice %arg2[%select_n3A, %dma_wait3A_107, %dma_wait3A_108] : memref<8x256x256xf32, #tpu.memory_space<hbm>> -> memref<1x88x128xf32, #tpu.memory_space<hbm>>
      %dma_wait3A_110 = tpu.memref_squeeze %dma_wait3A_109 : memref<1x88x128xf32, #tpu.memory_space<hbm>> -> memref<88x128xf32, #tpu.memory_space<hbm>>
      tpu.wait_dma2 semaphore(%arg10 : memref<!tpu.dma_semaphore, #tpu.memory_space<semaphore_mem>>) src(%dma_wait3A_110 : memref<88x128xf32, #tpu.memory_space<hbm>>) dst(%dma_wait3A_106 : memref<88x128xf32, #tpu.memory_space<vmem>>)
    } else {
    }
    %dma_start3A_80 = arith.constant 0 : i32
    %dma_start3A_81 = tpu.memref_slice %arg7[%dma_start3A_80] : memref<8192xf32, #tpu.memory_space<vmem>> -> memref<4096xf32, #tpu.memory_space<vmem>>
    %dma_start3A_82 = tpu.memref_slice %arg4[%add3A_57] : memref<261120xf32, #tpu.memory_space<hbm>> -> memref<4096xf32, #tpu.memory_space<hbm>>
    %dma_start3A_83 = tpu.memref_slice %arg4[%add3A_57] : memref<261120xf32, #tpu.memory_space<hbm>> -> memref<4096xf32, #tpu.memory_space<hbm>>
    %dma_start3A_84 = arith.constant 0 : i32
    %dma_start3A_85 = tpu.memref_slice %arg7[%dma_start3A_84] : memref<8192xf32, #tpu.memory_space<vmem>> -> memref<4096xf32, #tpu.memory_space<vmem>>
    tpu.enqueue_dma source(%dma_start3A_85 : memref<4096xf32, #tpu.memory_space<vmem>>) target(%dma_start3A_83 : memref<4096xf32, #tpu.memory_space<hbm>>) target_semaphore(%arg8 : memref<!tpu.dma_semaphore, #tpu.memory_space<semaphore_mem>>)
    %parallel_loop3A_86 = arith.constant 4096 : i32
    %parallel_loop3A_87 = arith.constant 8192 : i32
    %parallel_loop3A_88 = arith.constant 16 : i32
    scf.for %parallel_loop3A_97 = %parallel_loop3A_86 to %parallel_loop3A_87 step %parallel_loop3A_88  : i32 {
      %parallel_loop3A_98 = arith.index_cast %parallel_loop3A_97 : i32 to index
      %parallel_loop3A_99 = tpu.vector_load %arg6[%parallel_loop3A_98] {strides = array<i32>} : memref<8192xi32, #tpu.memory_space<vmem>>, vector<16xi32>,
      %parallel_loop3A_100 = arith.constant 8 : i32
      %parallel_loop3A_101 = vector.broadcast %parallel_loop3A_100 : i32 to vector<16xi32>
      %parallel_loop3A_102 = arith.shrui %parallel_loop3A_99, %parallel_loop3A_101 : vector<16xi32>
      %parallel_loop3A_103 = arith.constant 255 : i32
      %parallel_loop3A_104 = vector.broadcast %parallel_loop3A_103 : i32 to vector<16xi32>
      %parallel_loop3A_105 = arith.andi %parallel_loop3A_99, %parallel_loop3A_104 : vector<16xi32>
      %parallel_loop3A_106 = tpu.vector_load_idx %arg5[%parallel_loop3A_102, %parallel_loop3A_105] : memref<136x256xf32, #tpu.memory_space<vmem>>[vector<16xi32>, vector<16xi32>], vector<16xf32>,
      %parallel_loop3A_107 = arith.index_cast %parallel_loop3A_97 : i32 to index
      %parallel_loop3A_108 = tpu.vector_load %arg7[%parallel_loop3A_107] {strides = array<i32>} : memref<8192xf32, #tpu.memory_space<vmem>>, vector<16xf32>,
      tpu.vector_store %arg7[%parallel_loop3A_107], %parallel_loop3A_106 {strides = array<i32>} : memref<8192xf32, #tpu.memory_space<vmem>>, vector<16xf32>,
    } {sc.loop_unroll_factor = 8 : i64, sc.parallel_access}
    %dma_wait3A_89 = arith.constant 0 : i32
    %dma_wait3A_90 = tpu.memref_slice %arg7[%dma_wait3A_89] : memref<8192xf32, #tpu.memory_space<vmem>> -> memref<4096xf32, #tpu.memory_space<vmem>>
    %dma_wait3A_91 = tpu.memref_slice %arg4[%add3A_57] : memref<261120xf32, #tpu.memory_space<hbm>> -> memref<4096xf32, #tpu.memory_space<hbm>>
    %dma_wait3A_92 = tpu.memref_slice %arg4[%add3A_57] : memref<261120xf32, #tpu.memory_space<hbm>> -> memref<4096xf32, #tpu.memory_space<hbm>>
    %dma_wait3A_93 = arith.constant 0 : i32
    %dma_wait3A_94 = tpu.memref_slice %arg7[%dma_wait3A_93] : memref<8192xf32, #tpu.memory_space<vmem>> -> memref<4096xf32, #tpu.memory_space<vmem>>
    tpu.wait_dma2 semaphore(%arg8 : memref<!tpu.dma_semaphore, #tpu.memory_space<semaphore_mem>>) src(%dma_wait3A_94 : memref<4096xf32, #tpu.memory_space<vmem>>) dst(%dma_wait3A_92 : memref<4096xf32, #tpu.memory_space<hbm>>)
    %add3A_95 = arith.constant 4096 : i32
    %add3A_96 = arith.addi %add3A_57, %add3A_95 : i32
    "tpu.region"() ({
      %run_scoped3A = tpu.sem_alloc : memref<!tpu.dma_semaphore, #tpu.memory_space<semaphore_mem>>
      %dma_start3A_97 = arith.constant 4096 : i32
      %dma_start3A_98 = tpu.memref_slice %arg7[%dma_start3A_97] : memref<8192xf32, #tpu.memory_space<vmem>> -> memref<4064xf32, #tpu.memory_space<vmem>>
      %dma_start3A_99 = tpu.memref_slice %arg4[%add3A_96] : memref<261120xf32, #tpu.memory_space<hbm>> -> memref<4064xf32, #tpu.memory_space<hbm>>
      %dma_start3A_100 = tpu.memref_slice %arg4[%add3A_96] : memref<261120xf32, #tpu.memory_space<hbm>> -> memref<4064xf32, #tpu.memory_space<hbm>>
      %dma_start3A_101 = arith.constant 4096 : i32
      %dma_start3A_102 = tpu.memref_slice %arg7[%dma_start3A_101] : memref<8192xf32, #tpu.memory_space<vmem>> -> memref<4064xf32, #tpu.memory_space<vmem>>
      tpu.enqueue_dma source(%dma_start3A_102 : memref<4064xf32, #tpu.memory_space<vmem>>) target(%dma_start3A_100 : memref<4064xf32, #tpu.memory_space<hbm>>) target_semaphore(%run_scoped3A : memref<!tpu.dma_semaphore, #tpu.memory_space<semaphore_mem>>)
      %dma_wait3A_103 = arith.constant 4096 : i32
      %dma_wait3A_104 = tpu.memref_slice %arg7[%dma_wait3A_103] : memref<8192xf32, #tpu.memory_space<vmem>> -> memref<4064xf32, #tpu.memory_space<vmem>>
      %dma_wait3A_105 = tpu.memref_slice %arg4[%add3A_96] : memref<261120xf32, #tpu.memory_space<hbm>> -> memref<4064xf32, #tpu.memory_space<hbm>>
      %dma_wait3A_106 = tpu.memref_slice %arg4[%add3A_96] : memref<261120xf32, #tpu.memory_space<hbm>> -> memref<4064xf32, #tpu.memory_space<hbm>>
      %dma_wait3A_107 = arith.constant 4096 : i32
      %dma_wait3A_108 = tpu.memref_slice %arg7[%dma_wait3A_107] : memref<8192xf32, #tpu.memory_space<vmem>> -> memref<4064xf32, #tpu.memory_space<vmem>>
      tpu.wait_dma2 semaphore(%run_scoped3A : memref<!tpu.dma_semaphore, #tpu.memory_space<semaphore_mem>>) src(%dma_wait3A_108 : memref<4064xf32, #tpu.memory_space<vmem>>) dst(%dma_wait3A_106 : memref<4064xf32, #tpu.memory_space<hbm>>)
      tpu.yield
    }) : () -> ()
    return
  }
}

module attributes {stable_mosaic.version = 14 : i64} {
  func.func @_tc_body(%arg0: memref<1x8xf32, #tpu.memory_space<vmem>>, %arg1: memref<32768xi32, #tpu.memory_space<vmem>>, %arg2: memref<2048x512xf32, #tpu.memory_space<vmem>>, %arg3: memref<512x256xf32, #tpu.memory_space<vmem>>, %arg4: memref<1x256xf32, #tpu.memory_space<vmem>>, %arg5: memref<256x1024xf32, #tpu.memory_space<vmem>>, %arg6: memref<1x1024xf32, #tpu.memory_space<vmem>>, %arg7: memref<1024x256xf32, #tpu.memory_space<vmem>>, %arg8: memref<1x256xf32, #tpu.memory_space<vmem>>, %arg9: memref<8x256x256xf32, #tpu.memory_space<vmem>>, %arg10: memref<32768xi32, #tpu.memory_space<hbm>>, %arg11: memref<!tpu.dma_semaphore, #tpu.memory_space<semaphore_mem>>) attributes {dimension_semantics = [], scalar_prefetch = 0 : i64, scratch_operands = 1 : i64, tpu.core_type = #tpu.core_type<tc>} {
    tpu.enqueue_dma source(%arg1 : memref<32768xi32, #tpu.memory_space<vmem>>) target(%arg10 : memref<32768xi32, #tpu.memory_space<hbm>>) target_semaphore(%arg11 : memref<!tpu.dma_semaphore, #tpu.memory_space<semaphore_mem>>)
    %iota3A = tpu.iota {dimensions = array<i32: 0>} : vector<128x1xi32>
    %convert_element_type3A = arith.sitofp %iota3A : vector<128x1xi32> to vector<128x1xf32>
    %mul3A = arith.constant -0.0725223646 : f32
    %mul3A_0 = vector.broadcast %mul3A : f32 to vector<128x1xf32>
    %mul3A_1 = arith.mulf %convert_element_type3A, %mul3A_0 : vector<128x1xf32>
    %exp3A = math.exp %mul3A_1 : vector<128x1xf32>
    %get3A = arith.constant 0 : index
    %get3A_2 = arith.constant 0 : index
    %get3A_3 = vector.load %arg0[%get3A, %get3A_2] : memref<1x8xf32, #tpu.memory_space<vmem>>, vector<1x8xf32>
    %mul3A_4 = vector.broadcast %exp3A : vector<128x1xf32> to vector<128x8xf32>
    %mul3A_5 = vector.broadcast %get3A_3 : vector<1x8xf32> to vector<128x8xf32>
    %mul3A_6 = arith.mulf %mul3A_4, %mul3A_5 : vector<128x8xf32>
    %sin3A = math.sin %mul3A_6 : vector<128x8xf32>
    %cos3A = math.cos %mul3A_6 : vector<128x8xf32>
    %concatenate3A = tpu.concatenate %sin3A, %cos3A in 0 : vector<128x8xf32>, vector<128x8xf32> -> vector<256x8xf32>
    %get3A_7 = arith.constant 0 : index
    %get3A_8 = arith.constant 0 : index
    %get3A_9 = vector.load %arg5[%get3A_7, %get3A_8] : memref<256x1024xf32, #tpu.memory_space<vmem>>, vector<256x1024xf32>
    %dot_general3A = arith.constant dense<0.000000e+00> : vector<8x1024xf32>
    %dot_general3A_10 = tpu.matmul %concatenate3A, %get3A_9, %dot_general3A {dimension_numbers = #tpu.dot_dimension_numbers<[0], [0], [1], [1], [0, 1, 1, 1], [], []>, transpose_lhs_hint = false} : vector<256x8xf32>, vector<256x1024xf32>, vector<8x1024xf32> -> vector<8x1024xf32>
    %get3A_11 = arith.constant 0 : index
    %get3A_12 = arith.constant 0 : index
    %get3A_13 = vector.load %arg6[%get3A_11, %get3A_12] : memref<1x1024xf32, #tpu.memory_space<vmem>>, vector<1x1024xf32>
    %add3A = vector.broadcast %get3A_13 : vector<1x1024xf32> to vector<8x1024xf32>
    %add3A_14 = arith.addf %dot_general3A_10, %add3A : vector<8x1024xf32>
    %mul3A_15 = arith.constant 5.000000e-01 : f32
    %mul3A_16 = vector.broadcast %mul3A_15 : f32 to vector<8x1024xf32>
    %mul3A_17 = arith.mulf %add3A_14, %mul3A_16 : vector<8x1024xf32>
    %div3A = arith.constant 1.41421354 : f32
    %div3A_18 = vector.broadcast %div3A : f32 to vector<8x1024xf32>
    %div3A_19 = arith.divf %add3A_14, %div3A_18 : vector<8x1024xf32>
    %erf3A = math.erf %div3A_19 : vector<8x1024xf32>
    %add3A_20 = arith.constant 1.000000e+00 : f32
    %add3A_21 = vector.broadcast %add3A_20 : f32 to vector<8x1024xf32>
    %add3A_22 = arith.addf %add3A_21, %erf3A : vector<8x1024xf32>
    %mul3A_23 = arith.mulf %mul3A_17, %add3A_22 : vector<8x1024xf32>
    %get3A_24 = arith.constant 0 : index
    %get3A_25 = arith.constant 0 : index
    %get3A_26 = vector.load %arg7[%get3A_24, %get3A_25] : memref<1024x256xf32, #tpu.memory_space<vmem>>, vector<1024x256xf32>
    %dot_general3A_27 = arith.constant dense<0.000000e+00> : vector<8x256xf32>
    %dot_general3A_28 = tpu.matmul %mul3A_23, %get3A_26, %dot_general3A_27 {dimension_numbers = #tpu.dot_dimension_numbers<[1], [0], [0], [1], [0, 0, 1, 1], [], []>, transpose_lhs_hint = false} : vector<8x1024xf32>, vector<1024x256xf32>, vector<8x256xf32> -> vector<8x256xf32>
    %get3A_29 = arith.constant 0 : index
    %get3A_30 = arith.constant 0 : index
    %get3A_31 = vector.load %arg8[%get3A_29, %get3A_30] : memref<1x256xf32, #tpu.memory_space<vmem>>, vector<1x256xf32>
    %add3A_32 = vector.broadcast %get3A_31 : vector<1x256xf32> to vector<8x256xf32>
    %add3A_33 = arith.addf %dot_general3A_28, %add3A_32 : vector<8x256xf32>
    %mul3A_34 = arith.mulf %add3A_33, %add3A_33 : vector<8x256xf32>
    %reduce_sum3A = arith.constant dense<0.000000e+00> : vector<8xf32>
    %reduce_sum3A_35 = vector.multi_reduction <add>, %mul3A_34, %reduce_sum3A [1] : vector<8x256xf32> to vector<8xf32>
    %broadcast_in_dim3A = vector.shape_cast %reduce_sum3A_35 : vector<8xf32> to vector<8x1xf32>
    %get3A_36 = arith.constant 0 : index
    %get3A_37 = arith.constant 0 : index
    %get3A_38 = vector.load %arg2[%get3A_36, %get3A_37] : memref<2048x512xf32, #tpu.memory_space<vmem>>, vector<256x512xf32>
    %get3A_39 = arith.constant 0 : index
    %get3A_40 = arith.constant 0 : index
    %get3A_41 = vector.load %arg3[%get3A_39, %get3A_40] : memref<512x256xf32, #tpu.memory_space<vmem>>, vector<512x256xf32>
    %dot_general3A_42 = arith.constant dense<0.000000e+00> : vector<256x256xf32>
    %dot_general3A_43 = tpu.matmul %get3A_38, %get3A_41, %dot_general3A_42 {dimension_numbers = #tpu.dot_dimension_numbers<[1], [0], [0], [1], [0, 0, 1, 1], [], []>, transpose_lhs_hint = false} : vector<256x512xf32>, vector<512x256xf32>, vector<256x256xf32> -> vector<256x256xf32>
    %get3A_44 = arith.constant 0 : index
    %get3A_45 = arith.constant 0 : index
    %get3A_46 = vector.load %arg4[%get3A_44, %get3A_45] : memref<1x256xf32, #tpu.memory_space<vmem>>, vector<1x256xf32>
    %add3A_47 = vector.broadcast %get3A_46 : vector<1x256xf32> to vector<256x256xf32>
    %add3A_48 = arith.addf %dot_general3A_43, %add3A_47 : vector<256x256xf32>
    %dot_general3A_49 = arith.constant dense<0.000000e+00> : vector<256x256xf32>
    %dot_general3A_50 = tpu.matmul %add3A_48, %add3A_48, %dot_general3A_49 {dimension_numbers = #tpu.dot_dimension_numbers<[1], [1], [0], [0], [0, 0, 1, 0], [], []>, transpose_lhs_hint = false} : vector<256x256xf32>, vector<256x256xf32>, vector<256x256xf32> -> vector<256x256xf32>
    %slice3A = vector.extract_strided_slice %broadcast_in_dim3A {offsets = [0, 0], sizes = [1, 1], strides = [1, 1]} : vector<8x1xf32> to vector<1x1xf32>
    %add3A_51 = vector.broadcast %slice3A : vector<1x1xf32> to vector<256x256xf32>
    %add3A_52 = arith.addf %dot_general3A_50, %add3A_51 : vector<256x256xf32>
    %swap3A = arith.constant 0 : index
    %swap3A_53 = arith.constant 0 : index
    %swap3A_54 = arith.constant 0 : index
    %swap3A_55 = vector.load %arg9[%swap3A, %swap3A_53, %swap3A_54] : memref<8x256x256xf32, #tpu.memory_space<vmem>>, vector<1x256x256xf32>
    %swap3A_56 = vector.shape_cast %swap3A_55 : vector<1x256x256xf32> to vector<256x256xf32>
    %swap3A_57 = vector.shape_cast %add3A_52 : vector<256x256xf32> to vector<1x256x256xf32>
    tpu.vector_store %arg9[%swap3A, %swap3A_53, %swap3A_54], %swap3A_57 {strides = array<i32>} : memref<8x256x256xf32, #tpu.memory_space<vmem>>, vector<1x256x256xf32>,
    %get3A_58 = arith.constant 256 : index
    %get3A_59 = arith.constant 0 : index
    %get3A_60 = vector.load %arg2[%get3A_58, %get3A_59] : memref<2048x512xf32, #tpu.memory_space<vmem>>, vector<256x512xf32>
    %get3A_61 = arith.constant 0 : index
    %get3A_62 = arith.constant 0 : index
    %get3A_63 = vector.load %arg3[%get3A_61, %get3A_62] : memref<512x256xf32, #tpu.memory_space<vmem>>, vector<512x256xf32>
    %dot_general3A_64 = arith.constant dense<0.000000e+00> : vector<256x256xf32>
    %dot_general3A_65 = tpu.matmul %get3A_60, %get3A_63, %dot_general3A_64 {dimension_numbers = #tpu.dot_dimension_numbers<[1], [0], [0], [1], [0, 0, 1, 1], [], []>, transpose_lhs_hint = false} : vector<256x512xf32>, vector<512x256xf32>, vector<256x256xf32> -> vector<256x256xf32>
    %get3A_66 = arith.constant 0 : index
    %get3A_67 = arith.constant 0 : index
    %get3A_68 = vector.load %arg4[%get3A_66, %get3A_67] : memref<1x256xf32, #tpu.memory_space<vmem>>, vector<1x256xf32>
    %add3A_69 = vector.broadcast %get3A_68 : vector<1x256xf32> to vector<256x256xf32>
    %add3A_70 = arith.addf %dot_general3A_65, %add3A_69 : vector<256x256xf32>
    %dot_general3A_71 = arith.constant dense<0.000000e+00> : vector<256x256xf32>
    %dot_general3A_72 = tpu.matmul %add3A_70, %add3A_70, %dot_general3A_71 {dimension_numbers = #tpu.dot_dimension_numbers<[1], [1], [0], [0], [0, 0, 1, 0], [], []>, transpose_lhs_hint = false} : vector<256x256xf32>, vector<256x256xf32>, vector<256x256xf32> -> vector<256x256xf32>
    %slice3A_73 = vector.extract_strided_slice %broadcast_in_dim3A {offsets = [1, 0], sizes = [1, 1], strides = [1, 1]} : vector<8x1xf32> to vector<1x1xf32>
    %add3A_74 = vector.broadcast %slice3A_73 : vector<1x1xf32> to vector<256x256xf32>
    %add3A_75 = arith.addf %dot_general3A_72, %add3A_74 : vector<256x256xf32>
    %swap3A_76 = arith.constant 1 : index
    %swap3A_77 = arith.constant 0 : index
    %swap3A_78 = arith.constant 0 : index
    %swap3A_79 = vector.load %arg9[%swap3A_76, %swap3A_77, %swap3A_78] : memref<8x256x256xf32, #tpu.memory_space<vmem>>, vector<1x256x256xf32>
    %swap3A_80 = vector.shape_cast %swap3A_79 : vector<1x256x256xf32> to vector<256x256xf32>
    %swap3A_81 = vector.shape_cast %add3A_75 : vector<256x256xf32> to vector<1x256x256xf32>
    tpu.vector_store %arg9[%swap3A_76, %swap3A_77, %swap3A_78], %swap3A_81 {strides = array<i32>} : memref<8x256x256xf32, #tpu.memory_space<vmem>>, vector<1x256x256xf32>,
    %get3A_82 = arith.constant 512 : index
    %get3A_83 = arith.constant 0 : index
    %get3A_84 = vector.load %arg2[%get3A_82, %get3A_83] : memref<2048x512xf32, #tpu.memory_space<vmem>>, vector<256x512xf32>
    %get3A_85 = arith.constant 0 : index
    %get3A_86 = arith.constant 0 : index
    %get3A_87 = vector.load %arg3[%get3A_85, %get3A_86] : memref<512x256xf32, #tpu.memory_space<vmem>>, vector<512x256xf32>
    %dot_general3A_88 = arith.constant dense<0.000000e+00> : vector<256x256xf32>
    %dot_general3A_89 = tpu.matmul %get3A_84, %get3A_87, %dot_general3A_88 {dimension_numbers = #tpu.dot_dimension_numbers<[1], [0], [0], [1], [0, 0, 1, 1], [], []>, transpose_lhs_hint = false} : vector<256x512xf32>, vector<512x256xf32>, vector<256x256xf32> -> vector<256x256xf32>
    %get3A_90 = arith.constant 0 : index
    %get3A_91 = arith.constant 0 : index
    %get3A_92 = vector.load %arg4[%get3A_90, %get3A_91] : memref<1x256xf32, #tpu.memory_space<vmem>>, vector<1x256xf32>
    %add3A_93 = vector.broadcast %get3A_92 : vector<1x256xf32> to vector<256x256xf32>
    %add3A_94 = arith.addf %dot_general3A_89, %add3A_93 : vector<256x256xf32>
    %dot_general3A_95 = arith.constant dense<0.000000e+00> : vector<256x256xf32>
    %dot_general3A_96 = tpu.matmul %add3A_94, %add3A_94, %dot_general3A_95 {dimension_numbers = #tpu.dot_dimension_numbers<[1], [1], [0], [0], [0, 0, 1, 0], [], []>, transpose_lhs_hint = false} : vector<256x256xf32>, vector<256x256xf32>, vector<256x256xf32> -> vector<256x256xf32>
    %slice3A_97 = vector.extract_strided_slice %broadcast_in_dim3A {offsets = [2, 0], sizes = [1, 1], strides = [1, 1]} : vector<8x1xf32> to vector<1x1xf32>
    %add3A_98 = vector.broadcast %slice3A_97 : vector<1x1xf32> to vector<256x256xf32>
    %add3A_99 = arith.addf %dot_general3A_96, %add3A_98 : vector<256x256xf32>
    %swap3A_100 = arith.constant 2 : index
    %swap3A_101 = arith.constant 0 : index
    %swap3A_102 = arith.constant 0 : index
    %swap3A_103 = vector.load %arg9[%swap3A_100, %swap3A_101, %swap3A_102] : memref<8x256x256xf32, #tpu.memory_space<vmem>>, vector<1x256x256xf32>
    %swap3A_104 = vector.shape_cast %swap3A_103 : vector<1x256x256xf32> to vector<256x256xf32>
    %swap3A_105 = vector.shape_cast %add3A_99 : vector<256x256xf32> to vector<1x256x256xf32>
    tpu.vector_store %arg9[%swap3A_100, %swap3A_101, %swap3A_102], %swap3A_105 {strides = array<i32>} : memref<8x256x256xf32, #tpu.memory_space<vmem>>, vector<1x256x256xf32>,
    %get3A_106 = arith.constant 768 : index
    %get3A_107 = arith.constant 0 : index
    %get3A_108 = vector.load %arg2[%get3A_106, %get3A_107] : memref<2048x512xf32, #tpu.memory_space<vmem>>, vector<256x512xf32>
    %get3A_109 = arith.constant 0 : index
    %get3A_110 = arith.constant 0 : index
    %get3A_111 = vector.load %arg3[%get3A_109, %get3A_110] : memref<512x256xf32, #tpu.memory_space<vmem>>, vector<512x256xf32>
    %dot_general3A_112 = arith.constant dense<0.000000e+00> : vector<256x256xf32>
    %dot_general3A_113 = tpu.matmul %get3A_108, %get3A_111, %dot_general3A_112 {dimension_numbers = #tpu.dot_dimension_numbers<[1], [0], [0], [1], [0, 0, 1, 1], [], []>, transpose_lhs_hint = false} : vector<256x512xf32>, vector<512x256xf32>, vector<256x256xf32> -> vector<256x256xf32>
    %get3A_114 = arith.constant 0 : index
    %get3A_115 = arith.constant 0 : index
    %get3A_116 = vector.load %arg4[%get3A_114, %get3A_115] : memref<1x256xf32, #tpu.memory_space<vmem>>, vector<1x256xf32>
    %add3A_117 = vector.broadcast %get3A_116 : vector<1x256xf32> to vector<256x256xf32>
    %add3A_118 = arith.addf %dot_general3A_113, %add3A_117 : vector<256x256xf32>
    %dot_general3A_119 = arith.constant dense<0.000000e+00> : vector<256x256xf32>
    %dot_general3A_120 = tpu.matmul %add3A_118, %add3A_118, %dot_general3A_119 {dimension_numbers = #tpu.dot_dimension_numbers<[1], [1], [0], [0], [0, 0, 1, 0], [], []>, transpose_lhs_hint = false} : vector<256x256xf32>, vector<256x256xf32>, vector<256x256xf32> -> vector<256x256xf32>
    %slice3A_121 = vector.extract_strided_slice %broadcast_in_dim3A {offsets = [3, 0], sizes = [1, 1], strides = [1, 1]} : vector<8x1xf32> to vector<1x1xf32>
    %add3A_122 = vector.broadcast %slice3A_121 : vector<1x1xf32> to vector<256x256xf32>
    %add3A_123 = arith.addf %dot_general3A_120, %add3A_122 : vector<256x256xf32>
    %swap3A_124 = arith.constant 3 : index
    %swap3A_125 = arith.constant 0 : index
    %swap3A_126 = arith.constant 0 : index
    %swap3A_127 = vector.load %arg9[%swap3A_124, %swap3A_125, %swap3A_126] : memref<8x256x256xf32, #tpu.memory_space<vmem>>, vector<1x256x256xf32>
    %swap3A_128 = vector.shape_cast %swap3A_127 : vector<1x256x256xf32> to vector<256x256xf32>
    %swap3A_129 = vector.shape_cast %add3A_123 : vector<256x256xf32> to vector<1x256x256xf32>
    tpu.vector_store %arg9[%swap3A_124, %swap3A_125, %swap3A_126], %swap3A_129 {strides = array<i32>} : memref<8x256x256xf32, #tpu.memory_space<vmem>>, vector<1x256x256xf32>,
    %get3A_130 = arith.constant 1024 : index
    %get3A_131 = arith.constant 0 : index
    %get3A_132 = vector.load %arg2[%get3A_130, %get3A_131] : memref<2048x512xf32, #tpu.memory_space<vmem>>, vector<256x512xf32>
    %get3A_133 = arith.constant 0 : index
    %get3A_134 = arith.constant 0 : index
    %get3A_135 = vector.load %arg3[%get3A_133, %get3A_134] : memref<512x256xf32, #tpu.memory_space<vmem>>, vector<512x256xf32>
    %dot_general3A_136 = arith.constant dense<0.000000e+00> : vector<256x256xf32>
    %dot_general3A_137 = tpu.matmul %get3A_132, %get3A_135, %dot_general3A_136 {dimension_numbers = #tpu.dot_dimension_numbers<[1], [0], [0], [1], [0, 0, 1, 1], [], []>, transpose_lhs_hint = false} : vector<256x512xf32>, vector<512x256xf32>, vector<256x256xf32> -> vector<256x256xf32>
    %get3A_138 = arith.constant 0 : index
    %get3A_139 = arith.constant 0 : index
    %get3A_140 = vector.load %arg4[%get3A_138, %get3A_139] : memref<1x256xf32, #tpu.memory_space<vmem>>, vector<1x256xf32>
    %add3A_141 = vector.broadcast %get3A_140 : vector<1x256xf32> to vector<256x256xf32>
    %add3A_142 = arith.addf %dot_general3A_137, %add3A_141 : vector<256x256xf32>
    %dot_general3A_143 = arith.constant dense<0.000000e+00> : vector<256x256xf32>
    %dot_general3A_144 = tpu.matmul %add3A_142, %add3A_142, %dot_general3A_143 {dimension_numbers = #tpu.dot_dimension_numbers<[1], [1], [0], [0], [0, 0, 1, 0], [], []>, transpose_lhs_hint = false} : vector<256x256xf32>, vector<256x256xf32>, vector<256x256xf32> -> vector<256x256xf32>
    %slice3A_145 = vector.extract_strided_slice %broadcast_in_dim3A {offsets = [4, 0], sizes = [1, 1], strides = [1, 1]} : vector<8x1xf32> to vector<1x1xf32>
    %add3A_146 = vector.broadcast %slice3A_145 : vector<1x1xf32> to vector<256x256xf32>
    %add3A_147 = arith.addf %dot_general3A_144, %add3A_146 : vector<256x256xf32>
    %swap3A_148 = arith.constant 4 : index
    %swap3A_149 = arith.constant 0 : index
    %swap3A_150 = arith.constant 0 : index
    %swap3A_151 = vector.load %arg9[%swap3A_148, %swap3A_149, %swap3A_150] : memref<8x256x256xf32, #tpu.memory_space<vmem>>, vector<1x256x256xf32>
    %swap3A_152 = vector.shape_cast %swap3A_151 : vector<1x256x256xf32> to vector<256x256xf32>
    %swap3A_153 = vector.shape_cast %add3A_147 : vector<256x256xf32> to vector<1x256x256xf32>
    tpu.vector_store %arg9[%swap3A_148, %swap3A_149, %swap3A_150], %swap3A_153 {strides = array<i32>} : memref<8x256x256xf32, #tpu.memory_space<vmem>>, vector<1x256x256xf32>,
    %get3A_154 = arith.constant 1280 : index
    %get3A_155 = arith.constant 0 : index
    %get3A_156 = vector.load %arg2[%get3A_154, %get3A_155] : memref<2048x512xf32, #tpu.memory_space<vmem>>, vector<256x512xf32>
    %get3A_157 = arith.constant 0 : index
    %get3A_158 = arith.constant 0 : index
    %get3A_159 = vector.load %arg3[%get3A_157, %get3A_158] : memref<512x256xf32, #tpu.memory_space<vmem>>, vector<512x256xf32>
    %dot_general3A_160 = arith.constant dense<0.000000e+00> : vector<256x256xf32>
    %dot_general3A_161 = tpu.matmul %get3A_156, %get3A_159, %dot_general3A_160 {dimension_numbers = #tpu.dot_dimension_numbers<[1], [0], [0], [1], [0, 0, 1, 1], [], []>, transpose_lhs_hint = false} : vector<256x512xf32>, vector<512x256xf32>, vector<256x256xf32> -> vector<256x256xf32>
    %get3A_162 = arith.constant 0 : index
    %get3A_163 = arith.constant 0 : index
    %get3A_164 = vector.load %arg4[%get3A_162, %get3A_163] : memref<1x256xf32, #tpu.memory_space<vmem>>, vector<1x256xf32>
    %add3A_165 = vector.broadcast %get3A_164 : vector<1x256xf32> to vector<256x256xf32>
    %add3A_166 = arith.addf %dot_general3A_161, %add3A_165 : vector<256x256xf32>
    %dot_general3A_167 = arith.constant dense<0.000000e+00> : vector<256x256xf32>
    %dot_general3A_168 = tpu.matmul %add3A_166, %add3A_166, %dot_general3A_167 {dimension_numbers = #tpu.dot_dimension_numbers<[1], [1], [0], [0], [0, 0, 1, 0], [], []>, transpose_lhs_hint = false} : vector<256x256xf32>, vector<256x256xf32>, vector<256x256xf32> -> vector<256x256xf32>
    %slice3A_169 = vector.extract_strided_slice %broadcast_in_dim3A {offsets = [5, 0], sizes = [1, 1], strides = [1, 1]} : vector<8x1xf32> to vector<1x1xf32>
    %add3A_170 = vector.broadcast %slice3A_169 : vector<1x1xf32> to vector<256x256xf32>
    %add3A_171 = arith.addf %dot_general3A_168, %add3A_170 : vector<256x256xf32>
    %swap3A_172 = arith.constant 5 : index
    %swap3A_173 = arith.constant 0 : index
    %swap3A_174 = arith.constant 0 : index
    %swap3A_175 = vector.load %arg9[%swap3A_172, %swap3A_173, %swap3A_174] : memref<8x256x256xf32, #tpu.memory_space<vmem>>, vector<1x256x256xf32>
    %swap3A_176 = vector.shape_cast %swap3A_175 : vector<1x256x256xf32> to vector<256x256xf32>
    %swap3A_177 = vector.shape_cast %add3A_171 : vector<256x256xf32> to vector<1x256x256xf32>
    tpu.vector_store %arg9[%swap3A_172, %swap3A_173, %swap3A_174], %swap3A_177 {strides = array<i32>} : memref<8x256x256xf32, #tpu.memory_space<vmem>>, vector<1x256x256xf32>,
    %get3A_178 = arith.constant 1536 : index
    %get3A_179 = arith.constant 0 : index
    %get3A_180 = vector.load %arg2[%get3A_178, %get3A_179] : memref<2048x512xf32, #tpu.memory_space<vmem>>, vector<256x512xf32>
    %get3A_181 = arith.constant 0 : index
    %get3A_182 = arith.constant 0 : index
    %get3A_183 = vector.load %arg3[%get3A_181, %get3A_182] : memref<512x256xf32, #tpu.memory_space<vmem>>, vector<512x256xf32>
    %dot_general3A_184 = arith.constant dense<0.000000e+00> : vector<256x256xf32>
    %dot_general3A_185 = tpu.matmul %get3A_180, %get3A_183, %dot_general3A_184 {dimension_numbers = #tpu.dot_dimension_numbers<[1], [0], [0], [1], [0, 0, 1, 1], [], []>, transpose_lhs_hint = false} : vector<256x512xf32>, vector<512x256xf32>, vector<256x256xf32> -> vector<256x256xf32>
    %get3A_186 = arith.constant 0 : index
    %get3A_187 = arith.constant 0 : index
    %get3A_188 = vector.load %arg4[%get3A_186, %get3A_187] : memref<1x256xf32, #tpu.memory_space<vmem>>, vector<1x256xf32>
    %add3A_189 = vector.broadcast %get3A_188 : vector<1x256xf32> to vector<256x256xf32>
    %add3A_190 = arith.addf %dot_general3A_185, %add3A_189 : vector<256x256xf32>
    %dot_general3A_191 = arith.constant dense<0.000000e+00> : vector<256x256xf32>
    %dot_general3A_192 = tpu.matmul %add3A_190, %add3A_190, %dot_general3A_191 {dimension_numbers = #tpu.dot_dimension_numbers<[1], [1], [0], [0], [0, 0, 1, 0], [], []>, transpose_lhs_hint = false} : vector<256x256xf32>, vector<256x256xf32>, vector<256x256xf32> -> vector<256x256xf32>
    %slice3A_193 = vector.extract_strided_slice %broadcast_in_dim3A {offsets = [6, 0], sizes = [1, 1], strides = [1, 1]} : vector<8x1xf32> to vector<1x1xf32>
    %add3A_194 = vector.broadcast %slice3A_193 : vector<1x1xf32> to vector<256x256xf32>
    %add3A_195 = arith.addf %dot_general3A_192, %add3A_194 : vector<256x256xf32>
    %swap3A_196 = arith.constant 6 : index
    %swap3A_197 = arith.constant 0 : index
    %swap3A_198 = arith.constant 0 : index
    %swap3A_199 = vector.load %arg9[%swap3A_196, %swap3A_197, %swap3A_198] : memref<8x256x256xf32, #tpu.memory_space<vmem>>, vector<1x256x256xf32>
    %swap3A_200 = vector.shape_cast %swap3A_199 : vector<1x256x256xf32> to vector<256x256xf32>
    %swap3A_201 = vector.shape_cast %add3A_195 : vector<256x256xf32> to vector<1x256x256xf32>
    tpu.vector_store %arg9[%swap3A_196, %swap3A_197, %swap3A_198], %swap3A_201 {strides = array<i32>} : memref<8x256x256xf32, #tpu.memory_space<vmem>>, vector<1x256x256xf32>,
    %get3A_202 = arith.constant 1792 : index
    %get3A_203 = arith.constant 0 : index
    %get3A_204 = vector.load %arg2[%get3A_202, %get3A_203] : memref<2048x512xf32, #tpu.memory_space<vmem>>, vector<256x512xf32>
    %get3A_205 = arith.constant 0 : index
    %get3A_206 = arith.constant 0 : index
    %get3A_207 = vector.load %arg3[%get3A_205, %get3A_206] : memref<512x256xf32, #tpu.memory_space<vmem>>, vector<512x256xf32>
    %dot_general3A_208 = arith.constant dense<0.000000e+00> : vector<256x256xf32>
    %dot_general3A_209 = tpu.matmul %get3A_204, %get3A_207, %dot_general3A_208 {dimension_numbers = #tpu.dot_dimension_numbers<[1], [0], [0], [1], [0, 0, 1, 1], [], []>, transpose_lhs_hint = false} : vector<256x512xf32>, vector<512x256xf32>, vector<256x256xf32> -> vector<256x256xf32>
    %get3A_210 = arith.constant 0 : index
    %get3A_211 = arith.constant 0 : index
    %get3A_212 = vector.load %arg4[%get3A_210, %get3A_211] : memref<1x256xf32, #tpu.memory_space<vmem>>, vector<1x256xf32>
    %add3A_213 = vector.broadcast %get3A_212 : vector<1x256xf32> to vector<256x256xf32>
    %add3A_214 = arith.addf %dot_general3A_209, %add3A_213 : vector<256x256xf32>
    %dot_general3A_215 = arith.constant dense<0.000000e+00> : vector<256x256xf32>
    %dot_general3A_216 = tpu.matmul %add3A_214, %add3A_214, %dot_general3A_215 {dimension_numbers = #tpu.dot_dimension_numbers<[1], [1], [0], [0], [0, 0, 1, 0], [], []>, transpose_lhs_hint = false} : vector<256x256xf32>, vector<256x256xf32>, vector<256x256xf32> -> vector<256x256xf32>
    %slice3A_217 = vector.extract_strided_slice %broadcast_in_dim3A {offsets = [7, 0], sizes = [1, 1], strides = [1, 1]} : vector<8x1xf32> to vector<1x1xf32>
    %add3A_218 = vector.broadcast %slice3A_217 : vector<1x1xf32> to vector<256x256xf32>
    %add3A_219 = arith.addf %dot_general3A_216, %add3A_218 : vector<256x256xf32>
    %swap3A_220 = arith.constant 7 : index
    %swap3A_221 = arith.constant 0 : index
    %swap3A_222 = arith.constant 0 : index
    %swap3A_223 = vector.load %arg9[%swap3A_220, %swap3A_221, %swap3A_222] : memref<8x256x256xf32, #tpu.memory_space<vmem>>, vector<1x256x256xf32>
    %swap3A_224 = vector.shape_cast %swap3A_223 : vector<1x256x256xf32> to vector<256x256xf32>
    %swap3A_225 = vector.shape_cast %add3A_219 : vector<256x256xf32> to vector<1x256x256xf32>
    tpu.vector_store %arg9[%swap3A_220, %swap3A_221, %swap3A_222], %swap3A_225 {strides = array<i32>} : memref<8x256x256xf32, #tpu.memory_space<vmem>>, vector<1x256x256xf32>,
    tpu.wait_dma2 semaphore(%arg11 : memref<!tpu.dma_semaphore, #tpu.memory_space<semaphore_mem>>) src(%arg1 : memref<32768xi32, #tpu.memory_space<vmem>>) dst(%arg10 : memref<32768xi32, #tpu.memory_space<hbm>>)
    return
  }
}

</mosaic_0001>

<sc_bundles>
// kernel: kernel.4.cloned.1.call-start
scs
__scs_entry_jumppad:
0x0: {  	(pc) =	sbr.rel $0x88, $3  }
0x1: {  	(tag) =	ssettag $0x0;
	lr =	simm.s32 $0x1  }
0x2: {  	[smem:$0x3F99] =	sst lr;
	_ =	strace $0xD0000000  }
0x3: {  	_ = 	snop  }
0x4: {  	_ = 	snop  }
0x5: {  	_ = 	snop  }
0x6: {  	_ = 	snop  }
0x7: {  	_ = 	snop  }
__scs_overlays_trampoline_lowered:
0x8: {  	[smem:$0x3FA8] =	sst s0  }
0x9: {  	[smem:$0x3FA9] =	sst s1  }
0xa: {  	[smem:$0x3FAA] =	sst s2  }
0xb: {  	[smem:$0x3FAB] =	sst s3  }
0xc: {  	[smem:$0x3FAC] =	sst s4  }
0xd: {  	[smem:$0x3FAD] =	sst s5  }
0xe: {  	[smem:$0x3FAE] =	sst s6  }
0xf: {  	[smem:$0x3FAF] =	sst s7  }
0x10: {  	[smem:$0x3FB0] =	sst s8  }
0x11: {  	[smem:$0x3FB1] =	sst s9;
	s0 =	simm.s32 @!p0 $0x0  }
0x12: {  	s1 =	sld [smem:$0x3F97];
	s0 =	simm.s32 @p0 $0x1  }
0x13: {  	[smem:$0x3FB2] =	sst s0;
	s0 =	simm.s32 @!p1 $0x0  }
0x14: {  	s2 =	sld [smem:$0x3F96];
	s0 =	simm.s32 @p1 $0x1  }
0x15: {  	[smem:$0x3FB3] =	sst s0;
	s0 =	simm.s32 @!p2 $0x0  }
0x16: {  	s3 =	sld [smem:$0x3FDB];
	s0 =	simm.s32 @p2 $0x1  }
0x17: {  	s4 =	simm.s32 $0x1BF5;
	[smem:$0x3FB5] =	sst s0  }
0x18: {  	s0 =	sld [smem:$0x3F98];
	_ =	swait.ge [sflag:s4], $0x0  }
0x19: {  	s7 =	sld [smem:$0x3F99]  }
0x1a: {  	s8 =	sadd.s32 $0xFFFFE003, lr  }
0x1b: {  	s9 =	sadd.s32 $0xFFFFFEF7, lr;
	s5 =	simm.s32 $0xFFFFFFFF;
	p2 =	slt.u32 s8, $0xFFFFF086  }
0x1c: {  	p1 =	slt.u32 s9, $0xF7A;
	s5 =	simm.s32 @!p2 $0x0  }
0x1d: {  	s5 =	simm.s32 @p1 $0x1;
	p0 =	seq.s32 s7, s2  }
0x1e: {  	s7 =	smul.u32 @!p0 $0xF7A, s2;
	p2 =	seq.s32 @!p0 s5, $0x0  }
0x1f: {  	s9 =	smul.u32 $0xF7A, s1;
	s8 =	simm.s32 @!p0 $0x1BF5;
	p2 =	por !p2, p0  }
0x20: {  	[sflag:s8] =	ssyncset.s32 @!p0 $0xFFFFF086;
	s6 =	sadd.s32 @!p0 s3, s7;
	s7 =	simm.s32 @!p0 $0x108  }
0x21: {  	s3 =	sadd.s32 s3, s9;
	s6 =	sadd.s32 @!p0 $0x88, s6;
	s7 =	simm.s32 @p2 $0x1082  }
0x22: {  	[simem:s7], [sflag:s8] =	dma.local @!p0 [hbm:s6], $0xF7A  }
0x23: {  	s9 =	sor.u32 $0xD0000000, s2;
	s6 =	simm.s32 $0x108;
	_ =	swait.ge @!p0 [sflag:s8], $0x0  }
0x24: {  	s3 =	sadd.s32 $0x88, s3;
	s6 =	simm.s32 @!p1 $0x1082;
	[sflag:s4] =	ssyncset.s32 $0xFFFFF086  }
0x25: {  	[simem:s6], [sflag:s4] =	dma.local [hbm:s3], $0xF7A  }
0x26: {  	[smem:$0x3F99] =	sst s1;
	(tag) =	ssettag s2;
	_ =	strace s9  }
0x27: {  	s1 =	sld [smem:$0x3FA9]  }
0x28: {  	s2 =	sld [smem:$0x3FAA]  }
0x29: {  	s4 =	sld [smem:$0x3FAC]  }
0x2a: {  	p0 =	seq.s32 s5, $0x0;
	s5 =	sld [smem:$0x3FAD]  }
0x2b: {  	s6 =	sld [smem:$0x3FAE]  }
0x2c: {  	s7 =	sld [smem:$0x3FAF]  }
0x2d: {  	s3 =	simm.s32 $0x108;
	s8 =	sld [smem:$0x3FB0]  }
0x2e: {  	s3 =	simm.s32 @!p0 $0x1082;
	s9 =	sld [smem:$0x3FB1]  }
0x2f: {  	lr =	sadd.s32 s0, s3;
	s0 =	sld [smem:$0x3FA8]  }
0x30: {  	s3 =	sld [smem:$0x3FAB]  }
0x31: {  	[smem:$0x3FB4] =	sst s10  }
0x32: {  	s10 =	sld [smem:$0x3FB2];
	_ =	sdelay $0x3  }
0x33: {  	p0 =	seq.s32 s10, $0x1;
	s10 =	sld [smem:$0x3FB4];
	_ =	sdelay $0x3  }
0x34: {  	[smem:$0x3FB4] =	sst s10  }
0x35: {  	s10 =	sld [smem:$0x3FB3];
	_ =	sdelay $0x3  }
0x36: {  	p1 =	seq.s32 s10, $0x1;
	s10 =	sld [smem:$0x3FB4];
	_ =	sdelay $0x3  }
0x37: {  	[smem:$0x3FB4] =	sst s10  }
0x38: {  	s10 =	sld [smem:$0x3FB5]  }
0x39: {  	_ = 	snop;
	(pc) =	sbr.ind lr, $3  }
0x3a: {  	_ = 	snop  }
0x3b: {  	_ = 	snop  }
0x3c: {  	p2 =	seq.s32 s10, $0x1;
	s10 =	sld [smem:$0x3FB4]  }
0x3d: {  	_ =	shalt  }
0x3e: {  	_ =	shalt  }
0x3f: {  	_ =	shalt  }
0x40: {  	_ =	shalt  }
0x41: {  	_ =	shalt  }
0x42: {  	_ =	shalt  }
0x43: {  	_ =	shalt  }
0x44: {  	_ =	shalt  }
0x45: {  	_ =	shalt  }
0x46: {  	_ =	shalt  }
0x47: {  	_ =	shalt  }
0x48: {  	_ =	shalt  }
0x49: {  	_ =	shalt  }
0x4a: {  	_ =	shalt  }
0x4b: {  	_ =	shalt  }
0x4c: {  	_ =	shalt  }
0x4d: {  	_ =	shalt  }
0x4e: {  	_ =	shalt  }
0x4f: {  	_ =	shalt  }
0x50: {  	_ =	shalt  }
0x51: {  	_ =	shalt  }
0x52: {  	_ =	shalt  }
0x53: {  	_ =	shalt  }
0x54: {  	_ =	shalt  }
0x55: {  	_ =	shalt  }
0x56: {  	_ =	shalt  }
0x57: {  	_ =	shalt  }
0x58: {  	_ =	shalt  }
0x59: {  	_ =	shalt  }
0x5a: {  	_ =	shalt  }
0x5b: {  	_ =	shalt  }
0x5c: {  	_ =	shalt  }
0x5d: {  	_ =	shalt  }
0x5e: {  	_ =	shalt  }
0x5f: {  	_ =	shalt  }
0x60: {  	_ =	shalt  }
0x61: {  	_ =	shalt  }
0x62: {  	_ =	shalt  }
0x63: {  	_ =	shalt  }
0x64: {  	_ =	shalt  }
0x65: {  	_ =	shalt  }
0x66: {  	_ =	shalt  }
0x67: {  	_ =	shalt  }
0x68: {  	_ =	shalt  }
0x69: {  	_ =	shalt  }
0x6a: {  	_ =	shalt  }
0x6b: {  	_ =	shalt  }
0x6c: {  	_ =	shalt  }
0x6d: {  	_ =	shalt  }
0x6e: {  	_ =	shalt  }
0x6f: {  	_ =	shalt  }
0x70: {  	_ =	shalt  }
0x71: {  	_ =	shalt  }
0x72: {  	_ =	shalt  }
0x73: {  	_ =	shalt  }
0x74: {  	_ =	shalt  }
0x75: {  	_ =	shalt  }
0x76: {  	_ =	shalt  }
0x77: {  	_ =	shalt  }
0x78: {  	_ =	shalt  }
0x79: {  	_ =	shalt  }
0x7a: {  	_ =	shalt  }
0x7b: {  	_ =	shalt  }
0x7c: {  	_ =	shalt  }
0x7d: {  	_ =	shalt  }
0x7e: {  	_ =	shalt  }
0x7f: {  	_ =	shalt  }
0x80: {  	_ =	shalt  }
0x81: {  	_ =	shalt  }
0x82: {  	_ =	shalt  }
0x83: {  	_ =	shalt  }
0x84: {  	_ =	shalt  }
0x85: {  	_ =	shalt  }
0x86: {  	_ =	shalt  }
0x87: {  	_ =	shalt  }
.Lfunc_end0:
.L_simem_size_0:
called_computation_lowered:
.L_overlay_start_0:
0x88: {  	s2 =	sld [smem:$0x3FD9]  }
0x89: {  	s3 =	sld [smem:$0x3FFE];
	_ =	sdelay $0x1  }
0x8a: {  	s1 =	srdreg.scid  }
0x8b: {  	s0 =	sand.u32 $0x1, s1  }
0x8c: {  	s17 =	sshll.u32 s0, $0xA;
	s2 =	sadd.s32 s3, s2  }
0x8d: {  	s2 =	sadd.s32 s2, s17  }
0x8e: {  	[smem:$0x3FC0] =	sst s2  }
0x8f: {  	_ = 	snop  }
0x90: {  	s2 =	sld [smem:$0x3FD0];
	(tm) =	ssettm $0x1  }
0x91: {  	s18 =	sld [smem:$0x3FFB];
	_ =	sdelay $0x3  }
0x92: {  	_ =	strace s18  }
0x93: {  	s3 =	sld [smem:$0x3FFC];
	_ =	sdelay $0x3  }
0x94: {  	_ =	strace s3  }
0x95: {  	s3 =	sld [smem:$0x3FFD];
	_ =	sdelay $0x3  }
0x96: {  	_ =	strace s3  }
0x97: {  	_ =	strace $0x8FFFFFFF  }
0x98: {  	s19 =	sld [smem:$0x3FDB];
	_ =	sdelay $0x1  }
0x99: {  	s4 =	simm.s32 $_scs_section_size  }
0x9a: {  	s5 =	simm.s32 $_size__tile_overlayer_lowered;
	s6 =	simm.s32 $_tile_overlayer_lowered  }
0x9b: {  	s22 =	simm.s32 $0x1BFF;
	s21 =	sshll.u32 s6, $0x1;
	s3 =	sadd.s32 s4, s19  }
0x9c: {  	s7 =	simm.s32 $0x0;
	s20 =	sshll.u32 s5, $0x1;
	s5 =	sadd.s32 s21, s3  }
0x9d: {  	[timem:s7], [sflag:s22] =	dma.local [hbm:s5], s20  }
0x9e: {  	_ =	swait.ge [sflag:s22], s20  }
0x9f: {  	s4 =	ssub.s32 $0x0, s20;
	[sflag:s22] =	ssyncset.done $0x0  }
0xa0: {  	[sflag:s22] =	ssyncadd.s32 s4;
	_ =	sdelay $0x1  }
0xa1: {  	s23 =	simm.s32 $0x1B8B  }
0xa2: {  	_ =	swait.ge [sflag:s23], $0x1  }
0xa3: {  	[sflag:s23] =	ssyncset.done $0x0  }
0xa4: {  	s25 =	simm.s32 $0x1B8E;
	s24 =	sld [smem:$0x3FFE];
	[sflag:s23] =	ssyncadd.s32 $0xFFFFFFFF  }
0xa5: {  	s26 =	simm.s32 $execute0_lowered;
	[smem:$0x3FD2] =	sst s25  }
0xa6: {  	s5 =	sshll.u32 s26, $0x1;
	_ =	strace $0x80000046;
	[dreg:$0x1] =	wrdreg $0xFFFFFFFF  }
0xa7: {  	s28 =	simm.s32 $_size_execute0_lowered;
	s3 =	sadd.s32 s3, s5;
	[dreg:$0x0] =	wrdreg $0x0  }
0xa8: {  	s5 =	sshll.u32 s28, $0x1;
	[dreg:$0x2] =	wrdreg s3  }
0xa9: {  	[dreg:$0x3] =	wrdreg s5  }
0xaa: {  	[dreg:$0x4] =	wrdreg $0xC0  }
0xab: {  	_ =	task [dreg:s7], $0x5FFFF  }
0xac: {  	[dreg:$0x1] =	wrdreg $0xFFFFFFFF  }
0xad: {  	[dreg:$0x0] =	wrdreg $0x60  }
0xae: {  	[dreg:$0x2] =	wrdreg s24  }
0xaf: {  	[dreg:$0x3] =	wrdreg s2  }
0xb0: {  	[dreg:$0x4] =	wrdreg $0x9  }
0xb1: {  	_ =	task.clear_ibuf [dreg:s7], $0x5FFFF;
	_ =	strace $0x90000046  }
0xb2: {  	s29 =	simm.s32 $0x9;
	_ =	strace $0x80000048  }
0xb3: {  	_ =	swait.ge [sflag:s29], $0x1  }
0xb4: {  	[sflag:s29] =	ssyncadd.s32 $0xFFFFFFFF  }
0xb5: {  	_ =	strace $0x90000048  }
0xb6: {  	_ =	sfence  }
0xb7: {  	s30 =	sld [smem:$0x0];
	_ =	sdelay $0x2  }
0xb8: {  	s31 =	sshll.u32 s1, $0xD;
	s1 =	sshrl.u32 s1, $0x2  }
0xb9: {  	s3 =	sand.u32 $0x4000, s31;
	s1 =	sadd.s32 s1, s30  }
0xba: {  	s0 =	sor.u32 s3, s0;
	s1 =	sshll.u32 s1, $0x11  }
0xbb: {  	s0 =	sor.u32 s1, s0  }
0xbc: {  	s0 =	sadd.s32 $0x8F2B, s0  }
0xbd: {  	[sflag:s0] =	ssyncadd.remote.s32 $0x1  }
0xbe: {  	_ =	sfence.sel $0xFFFF  }
0xbf: {  	[dreg:$0x0] =	wrdreg $0xFFFFFFFF;
	(pc) =	sbr.abs _section_cstart, $3  }
0xc0: {  	[dreg:$0x1] =	wrdreg $0xFFFFFFFF  }
0xc1: {  	_ =	task.clear_ibuf [dreg:s7], $0x2FFFF;
	_ =	strace $0x9FFFFFFF  }
0xc2: {  	(tm) =	ssettm $0x7FFFFFFF  }
0xc3: {  	_ =	shalt  }
tec
execute0_lowered:
.L_overlay_start_1:
0x0: {  	(tag) =	ssettag $0x1  }
0x1: {  	s3 =	rddreg [dreg:$0x0]  }
0x2: {  	s10 =	rddreg [dreg:$0x1]  }
0x3: {  	s0 =	rddreg [dreg:$0x2];
	s2 =	simm.s32 $0x0;
	s1 =	stileid.u32  }
0x4: {  	s4 =	srdreg.scid;
	s15 =	simm.s32 $0x8800;
	s18 =	simm.s32 $0x1  }
0x5: {  	s19 =	simm.s32 $0xB800;
	s20 =	simm.s32 $0x4;
	[smem:$0x7FF] =	sst s2  }
0x6: {  	s5 =	sshll.u32 s1, $0x1;
	s6 =	sshrl.u32 s1, $0x1;
	s4 =	sand.u32 $0x1, s4  }
0x7: {  	s5 =	sand.u32 $0x2, s5;
	_ =	strace $0x80000047;
	s7 =	sshll.u32 s6, $0xD  }
0x8: {  	s6 =	smul.u32 $0x7F80, s6;
	s21 =	sor.u32 s4, s5;
	s4 =	ssub.s32 $0x2, s4  }
0x9: {  	s12 =	sadd.s32 s7, s3;
	s5 =	sshll.u32 s21, $0xA;
	s8 =	sshrl.u32 s4, $0x1  }
0xa: {  	s9 =	smul.u32 $0x1FE0, s21;
	s7 =	sadd.s32 $0x3300, s12;
	p0 =	sgt.s32 s21, $0x1  }
0xb: {  	p1 =	seq.s32 s21, $0x0;
	p3 =	seq.s32 s21, $0x2;
	s5 =	sadd.s32 s5, s3  }
0xc: {  	s14 =	ssub.s32 s4, s8;
	s4 =	sadd.s32 $0x3F80, s12;
	s8 =	sadd.s32 $0x3100, s12  }
0xd: {  	s16 =	simm.s32 @!p0 $0x0;
	s3 =	sadd.s32 $0x1A00, s5;
	s5 =	sadd.s32 $0x3980, s12  }
0xe: {  	s31 =	sadd.s32 s6, s9;
	s6 =	sadd.s32 $0x3700, s12;
	s9 =	sadd.s32 $0x2E00, s12  }
0xf: {  	s14 =	smax.u32 s14, $0x1;
	s16 =	simm.s32 @p0 $0x1;
	p0 =	sne.s32 s21, $0x0  }
0x10: {  	s21 =	simm.s32 $0x0;
	s11 =	sshrl.u32 s31, $0x3;
	[smem:$0x7FC] =	sst s16  }
0x11: {  	s16 =	simm.s32 $0x2;
	s17 =	simm.s32 @!p0 $0x0;
	s10 =	sadd.s32 s10, s11  }
0x12: {  	s11 =	sadd.s32 $0x2D00, s12;
	s12 =	sadd.s32 $0x2A00, s12;
	s17 =	simm.s32 @p0 $0x1  }
0x13: {  	s13 =	sadd.s32 $0x200, s10;
	[smem:$0x7FD] =	sst s17;
	s17 =	simm.s32 $0xA800  }
.LBB2_1:
0x14: {  	s22 =	sld [smem:$0x7FC];
	_ =	sdelay $0x2  }
0x15: {  	p0 =	seq.s32 s22, $0x1  }
.Ltmp0:
0x16: {  	_ = 	snop;
	(pc) =	sbr.rel @p0 .LBB2_3-.Ltmp0, $2  }
0x17: {  	_ =	sdelay $0x2  }
0x18: {  	[tilespmem:s15], [sflag:$0x2] =	stream.linear.gather [hbm4b:s3+s2], $0x2000, $0x38;
	[tilespmem:$0xC800] =	vst v63  }
0x19: {  	s22 =	simm.s32 @p1 $0x0;
	s23 =	simm.s32 @p1 $0x1800  }
0x1a: {  	[tilespmem:s23], [sflag:$0x3] =	stream.linear.gather @p1 [hbm4b:s11+s22], $0x1000, $0x38;
	[tilespmem:$0xC800] =	vst v63  }
0x1b: {  	_ = 	snop  }
0x1c: {  	[tilespmem:s22], [sflag:$0x1] =	stream.linear.gather @p1 [hbm4b:s12+s22], $0x1800, $0x38;
	[tilespmem:$0xC800] =	vst v63  }
0x1d: {  	s22 =	simm.s32 @p1 $0x1  }
0x1e: {  	_ =	swait.ge @p1 [sflag:s22], $0x1800  }
0x1f: {  	[sflag:s22] =	ssyncset.done @p1 $0x0  }
0x20: {  	s23 =	simm.s32 @!p1 $0x1800;
	[sflag:s22] =	ssyncadd.s32 @p1 $0xFFFFE800;
	s22 =	simm.s32 @!p1 $0x0  }
0x21: {  	[tilespmem:s23], [sflag:$0x3] =	stream.linear.gather @!p1 [hbm4b:s8+s22], $0x1800, $0x38;
	[tilespmem:$0xC800] =	vst v63  }
0x22: {  	_ = 	snop  }
0x23: {  	[tilespmem:s22], [sflag:$0x1] =	stream.linear.gather @!p1 [hbm4b:s9+s22], $0x1800, $0x38;
	[tilespmem:$0xC800] =	vst v63  }
.Ltmp1:
0x24: {  	_ = 	snop;
	(pc) =	sbr.rel .LBB2_4-.Ltmp1, $4  }
0x25: {  	p4 =	por @p1 $0x0, $0x0;
	p0 =	por @!p1 $0x0, $0x0;
	s22 =	simm.s32 @!p1 $0x1  }
0x26: {  	p5 =	por @p1 $0x0, $0x0;
	p2 =	por @!p1 $0x1, $0x1;
	_ =	swait.ge @!p1 [sflag:s22], $0x1800  }
0x27: {  	p6 =	por @p1 $0x0, $0x0;
	p5 =	por @!p1 p0, p0;
	[sflag:s22] =	ssyncset.done @!p1 $0x0  }
0x28: {  	p6 =	por @!p1 p2, p2;
	p4 =	por @!p1 p0, p0;
	[sflag:s22] =	ssyncadd.s32 @!p1 $0xFFFFE800  }
.LBB2_3:
0x29: {  	s22 =	simm.s32 @p3 $0x0;
	s23 =	simm.s32 @p3 $0x2000  }
0x2a: {  	[tilespmem:s23], [sflag:$0x3] =	stream.linear.gather @p3 [hbm4b:s6+s22], $0x1800, $0x38;
	[tilespmem:$0xC800] =	vst v63  }
0x2b: {  	_ = 	snop  }
0x2c: {  	[tilespmem:s22], [sflag:$0x1] =	stream.linear.gather @p3 [hbm4b:s7+s22], $0x2000, $0x38;
	[tilespmem:$0xC800] =	vst v63  }
0x2d: {  	s22 =	simm.s32 @p3 $0x1  }
0x2e: {  	_ =	swait.ge @p3 [sflag:s22], $0x2000  }
0x2f: {  	[sflag:s22] =	ssyncset.done @p3 $0x0  }
0x30: {  	s23 =	simm.s32 @!p3 $0x3000;
	[sflag:s22] =	ssyncadd.s32 @p3 $0xFFFFE000;
	s22 =	simm.s32 @!p3 $0x0  }
0x31: {  	[tilespmem:s23], [sflag:$0x3] =	stream.linear.gather @!p3 [hbm4b:s4+s22], $0x400, $0x38;
	[tilespmem:$0xC800] =	vst v63  }
0x32: {  	s24 =	simm.s32 @!p3 $0x3800;
	s23 =	sadd.s32 @!p3 $0x100, s4  }
0x33: {  	[tilespmem:s24], [sflag:$0x3] =	stream.linear.gather @!p3 [hbm4b:s23+s22], $0x400, $0x38;
	[tilespmem:$0xC800] =	vst v63  }
0x34: {  	s23 =	sadd.s32 @!p3 $0x200, s4;
	s24 =	simm.s32 @!p3 $0x4000  }
0x35: {  	[tilespmem:s24], [sflag:$0x3] =	stream.linear.gather @!p3 [hbm4b:s23+s22], $0x400, $0x38;
	[tilespmem:$0xC800] =	vst v63  }
0x36: {  	s23 =	sadd.s32 @!p3 $0x300, s4;
	s24 =	simm.s32 @!p3 $0x4800  }
0x37: {  	[tilespmem:s24], [sflag:$0x3] =	stream.linear.gather @!p3 [hbm4b:s23+s22], $0x400, $0x38;
	[tilespmem:$0xC800] =	vst v63  }
0x38: {  	s23 =	sadd.s32 @!p3 $0x400, s4;
	s24 =	simm.s32 @!p3 $0x5000  }
0x39: {  	[tilespmem:s24], [sflag:$0x3] =	stream.linear.gather @!p3 [hbm4b:s23+s22], $0x400, $0x38;
	[tilespmem:$0xC800] =	vst v63  }
0x3a: {  	s23 =	sadd.s32 @!p3 $0x500, s4;
	s24 =	simm.s32 @!p3 $0x5800  }
0x3b: {  	[tilespmem:s24], [sflag:$0x3] =	stream.linear.gather @!p3 [hbm4b:s23+s22], $0x400, $0x38;
	[tilespmem:$0xC800] =	vst v63  }
0x3c: {  	s23 =	sadd.s32 @!p3 $0x600, s4;
	s24 =	simm.s32 @!p3 $0x6000  }
0x3d: {  	[tilespmem:s24], [sflag:$0x3] =	stream.linear.gather @!p3 [hbm4b:s23+s22], $0x400, $0x38;
	[tilespmem:$0xC800] =	vst v63  }
0x3e: {  	s23 =	sadd.s32 @!p3 $0x700, s4;
	s24 =	simm.s32 @!p3 $0x6800  }
0x3f: {  	[tilespmem:s24], [sflag:$0x3] =	stream.linear.gather @!p3 [hbm4b:s23+s22], $0x400, $0x38;
	[tilespmem:$0xC800] =	vst v63  }
0x40: {  	s23 =	sadd.s32 @!p3 $0x800, s4;
	s24 =	simm.s32 @!p3 $0x7000  }
0x41: {  	[tilespmem:s24], [sflag:$0x3] =	stream.linear.gather @!p3 [hbm4b:s23+s22], $0x400, $0x38;
	[tilespmem:$0xC800] =	vst v63  }
0x42: {  	s23 =	sadd.s32 @!p3 $0x900, s4;
	s24 =	simm.s32 @!p3 $0x7800  }
0x43: {  	[tilespmem:s24], [sflag:$0x3] =	stream.linear.gather @!p3 [hbm4b:s23+s22], $0x400, $0x38;
	[tilespmem:$0xC800] =	vst v63  }
0x44: {  	s23 =	sadd.s32 @!p3 $0xA00, s4;
	s24 =	simm.s32 @!p3 $0x8000  }
0x45: {  	[tilespmem:s24], [sflag:$0x3] =	stream.linear.gather @!p3 [hbm4b:s23+s22], $0x400, $0x38;
	[tilespmem:$0xC800] =	vst v63  }
0x46: {  	_ = 	snop  }
0x47: {  	[tilespmem:s22], [sflag:$0x1] =	stream.linear.gather @!p3 [hbm4b:s5+s22], $0x400, $0x38;
	[tilespmem:$0xC800] =	vst v63  }
0x48: {  	s23 =	sadd.s32 @!p3 $0x100, s5;
	s24 =	simm.s32 @!p3 $0x800  }
0x49: {  	[tilespmem:s24], [sflag:$0x1] =	stream.linear.gather @!p3 [hbm4b:s23+s22], $0x400, $0x38;
	[tilespmem:$0xC800] =	vst v63  }
0x4a: {  	s23 =	sadd.s32 @!p3 $0x200, s5;
	s24 =	simm.s32 @!p3 $0x1000  }
0x4b: {  	[tilespmem:s24], [sflag:$0x1] =	stream.linear.gather @!p3 [hbm4b:s23+s22], $0x400, $0x38;
	[tilespmem:$0xC800] =	vst v63  }
0x4c: {  	s23 =	sadd.s32 @!p3 $0x300, s5;
	s24 =	simm.s32 @!p3 $0x1800  }
0x4d: {  	[tilespmem:s24], [sflag:$0x1] =	stream.linear.gather @!p3 [hbm4b:s23+s22], $0x400, $0x38;
	[tilespmem:$0xC800] =	vst v63  }
0x4e: {  	s23 =	sadd.s32 @!p3 $0x400, s5;
	s24 =	simm.s32 @!p3 $0x2000  }
0x4f: {  	[tilespmem:s24], [sflag:$0x1] =	stream.linear.gather @!p3 [hbm4b:s23+s22], $0x400, $0x38;
	[tilespmem:$0xC800] =	vst v63  }
0x50: {  	s23 =	sadd.s32 @!p3 $0x500, s5;
	s24 =	simm.s32 @!p3 $0x2800  }
0x51: {  	[tilespmem:s24], [sflag:$0x1] =	stream.linear.gather @!p3 [hbm4b:s23+s22], $0x400, $0x38;
	[tilespmem:$0xC800] =	vst v63  }
0x52: {  	p4 =	por @p3 $0x1, $0x1;
	p6 =	por @p3 $0x0, $0x0;
	s22 =	simm.s32 @!p3 $0x1  }
0x53: {  	p0 =	por @!p3 $0x1, $0x1;
	p5 =	por @p3 $0x0, $0x0;
	_ =	swait.ge @!p3 [sflag:s22], $0x1800  }
0x54: {  	p2 =	por @!p3 $0x0, $0x0;
	p5 =	por @!p3 p0, p0;
	[sflag:s22] =	ssyncset.done @!p3 $0x0  }
0x55: {  	p6 =	por @!p3 p2, p2;
	p4 =	por @!p3 p2, p2;
	[sflag:s22] =	ssyncadd.s32 @!p3 $0xFFFFE800  }
.LBB2_4:
0x56: {  	_ =	swait.ge [sflag:s16], $0x2000  }
0x57: {  	[sflag:s16] =	ssyncset.done $0x0  }
0x58: {  	s22 =	simm.s32 $0x8840;
	[sflag:s16] =	ssyncadd.s32 $0xFFFFE000  }
0x59: {  	v0 =	vld [tilespmem:s22+$0x30]  }
0x5a: {  	v1 =	vld [tilespmem:s22+$0xFFFFFFD0]  }
0x5b: {  	v3 =	vld [tilespmem:s22+$0xFFFFFFF0]  }
0x5c: {  	v5 =	vld [tilespmem:s22+$0x10]  }
0x5d: {  	v7 =	vld [tilespmem:s22+$0x20]  }
0x5e: {  	v9 =	vld [tilespmem:s22+$0xFFFFFFC0];
	_ =	sdelay $0x1  }
0x5f: {  	v2 =	vld [tilespmem:s22+$0xFFFFFFE0]  }
0x60: {  	v4 =	vld [tilespmem:s22+$0x0];
	v6 =	vshll.u32 v0, $0x3;
	v8 =	vshrl.u32 v0, $0x1;
	v0 =	vand.u32 $0xFFFFF87F, v0  }
0x61: {  	v10 =	vshll.u32 v1, $0x3;
	v11 =	vshll.u32 v3, $0x3;
	v12 =	vshll.u32 v5, $0x3  }
0x62: {  	v13 =	vshrl.u32 v1, $0x1;
	v14 =	vshll.u32 v7, $0x3;
	v15 =	vshll.u32 v9, $0x3  }
0x63: {  	v16 =	vshrl.u32 v9, $0x1;
	v9 =	vand.u32 $0xFFFFF87F, v9;
	v1 =	vand.u32 $0xFFFFF87F, v1  }
0x64: {  	v17 =	vshrl.u32 v2, $0x1;
	v18 =	vshrl.u32 v3, $0x1;
	v3 =	vand.u32 $0xFFFFF87F, v3  }
0x65: {  	v19 =	vshrl.u32 v4, $0x1;
	v20 =	vshrl.u32 v5, $0x1;
	v5 =	vand.u32 $0xFFFFF87F, v5  }
0x66: {  	v21 =	vshrl.u32 v7, $0x1;
	v7 =	vand.u32 $0xFFFFF87F, v7;
	v6 =	vand.u32 $0x400, v6  }
0x67: {  	v8 =	vand.u32 $0x380, v8;
	v11 =	vand.u32 $0x400, v11;
	v12 =	vand.u32 $0x400, v12  }
0x68: {  	v14 =	vand.u32 $0x400, v14;
	v15 =	vand.u32 $0x400, v15;
	v0 =	vor.u32 v6, v0  }
0x69: {  	v6 =	vshll.u32 v2, $0x3;
	v2 =	vand.u32 $0xFFFFF87F, v2;
	v9 =	vor.u32 v15, v9  }
0x6a: {  	v3 =	vor.u32 v11, v3;
	v5 =	vor.u32 v12, v5;
	v7 =	vor.u32 v14, v7  }
0x6b: {  	s31 =	simm.s32 $0x88C0;
	v11 =	vand.u32 $0x380, v13;
	v12 =	vand.u32 $0x380, v17;
	v13 =	vand.u32 $0x380, v18  }
0x6c: {  	v14 =	vld [tilespmem:s31+$0xFFFFFFE0];
	v15 =	vand.u32 $0x380, v19;
	v17 =	vand.u32 $0x380, v21;
	v0 =	vor.u32 v8, v0  }
0x6d: {  	v18 =	vld [tilespmem:s31+$0xFFFFFFF0];
	v8 =	vand.u32 $0x400, v10;
	v6 =	vand.u32 $0x400, v6;
	v10 =	vshll.u32 v4, $0x3  }
0x6e: {  	v4 =	vand.u32 $0xFFFFF87F, v4;
	v3 =	vor.u32 v13, v3;
	v2 =	vor.u32 v6, v2;
	v6 =	vld [tilespmem:s31+$0x30]  }
0x6f: {  	v13 =	vld [tilespmem:s31+$0x10];
	v10 =	vand.u32 $0x400, v10;
	v1 =	vor.u32 v8, v1;
	v8 =	vand.u32 $0x380, v16  }
0x70: {  	v16 =	vand.u32 $0x380, v20;
	v4 =	vor.u32 v10, v4;
	v10 =	vld [tilespmem:s31+$0xFFFFFFD0];
	v8 =	vor.u32 v8, v9  }
0x71: {  	v1 =	vor.u32 v11, v1;
	v2 =	vor.u32 v12, v2;
	v12 =	vor.u32 v16, v5;
	v9 =	vld [tilespmem:s31+$0xFFFFFFC0]  }
0x72: {  	v11 =	vld [tilespmem:s31+$0x0];
	v4 =	vor.u32 v15, v4;
	v15 =	vor.u32 v17, v7;
	v19 =	vshll.u32 v18, $0x3  }
0x73: {  	v17 =	vld [tilespmem:s31+$0x20];
	v31 =	vand.u32 $0xFFFFF87F, v14;
	v19 =	vand.u32 $0x400, v19;
	v5 =	vshll.u32 v6, $0x3  }
0x74: {  	v26 =	vld.idx.msk [tilespmem:v3+s2+$0x0], $0xffff;
	v7 =	vshrl.u32 v6, $0x1;
	v6 =	vand.u32 $0xFFFFF87F, v6;
	v5 =	vand.u32 $0x400, v5  }
0x75: {  	v16 =	vshll.u32 v10, $0x3;
	v7 =	vand.u32 $0x380, v7;
	v62 =	vld.idx.msk [tilespmem:v8+s2+$0x0], $0xffff;
	v5 =	vor.u32 v5, v6  }
0x76: {  	v25 =	vld.idx.msk [tilespmem:v2+s2+$0x0], $0xffff;
	v3 =	vshll.u32 v9, $0x3;
	v29 =	vand.u32 $0xFFFFF87F, v9;
	v20 =	vor.u32 v7, v5  }
0x77: {  	v30 =	vand.u32 $0xFFFFF87F, v10;
	v8 =	vshrl.u32 v18, $0x1;
	v63 =	vand.u32 $0xFFFFF87F, v11;
	v6 =	vld.idx.msk [tilespmem:v0+s2+$0x0], $0xffff  }
0x78: {  	v0 =	vshll.u32 v14, $0x3;
	v22 =	vand.u32 $0x400, v16;
	v16 =	vld.idx.msk [tilespmem:v1+s2+$0x0], $0xffff;
	v1 =	vshrl.u32 v10, $0x1  }
0x79: {  	s22 =	simm.s32 $0xA840;
	v2 =	vshll.u32 v17, $0x3;
	v28 =	vand.u32 $0x400, v3;
	v10 =	vshrl.u32 v13, $0x1  }
0x7a: {  	v27 =	vld.idx.msk [tilespmem:v4+s2+$0x0], $0xffff;
	v23 =	vand.u32 $0x400, v0;
	v0 =	vshll.u32 v11, $0x3;
	v5 =	vshrl.u32 v9, $0x1;
	[tilespmem:s22+$0xFFFFFFF0] =	vst v26  }
0x7b: {  	v2 =	vand.u32 $0x400, v2;
	v7 =	vshrl.u32 v14, $0x1;
	v9 =	vshrl.u32 v11, $0x1;
	[tilespmem:s22+$0xFFFFFFC0] =	vst v62;
	v3 =	vld.idx.msk [tilespmem:v20+s2+$0x0], $0xffff  }
0x7c: {  	v4 =	vld.idx.msk [tilespmem:v12+s2+$0x0], $0xffff;
	v11 =	vshrl.u32 v17, $0x1;
	v24 =	vand.u32 $0x400, v0;
	v0 =	vshll.u32 v13, $0x3;
	[tilespmem:s22+$0xFFFFFFE0] =	vst v25  }
0x7d: {  	v14 =	vor.u32 v28, v29;
	v12 =	vor.u32 v22, v30;
	v0 =	vand.u32 $0x400, v0;
	[tilespmem:s22+$0x30] =	vst v6;
	v6 =	vld.idx.msk [tilespmem:v15+s2+$0x0], $0xffff  }
0x7e: {  	[tilespmem:s22+$0xFFFFFFD0] =	vst v16;
	v16 =	vand.u32 $0xFFFFF87F, v13;
	v13 =	vor.u32 v24, v63;
	v20 =	vand.u32 $0xFFFFF87F, v18  }
0x7f: {  	s24 =	simm.s32 $0x80;
	s25 =	simm.s32 $0x8940;
	s23 =	simm.s32 $0xA8C0;
	[tilespmem:s22+$0x0] =	vst v27;
	v18 =	vand.u32 $0xFFFFF87F, v17;
	v17 =	vor.u32 v23, v31;
	v15 =	vor.u32 v19, v20  }
.LBB2_5:
0x80: {  	v19 =	vld [tilespmem:s25+$0x30];
	s24 =	sadd.s32 $0x80, s24;
	v5 =	vand.u32 $0x380, v5;
	v0 =	vor.u32 v0, v16;
	v2 =	vor.u32 v2, v18;
	[tilespmem:s23+$0x30] =	vst v3  }
0x81: {  	v1 =	vand.u32 $0x380, v1;
	v7 =	vand.u32 $0x380, v7;
	v8 =	vand.u32 $0x380, v8;
	v3 =	vld [tilespmem:s25+$0xFFFFFFD0];
	p0 =	slt.u32 s24, $0xF80;
	[tilespmem:s22+$0x10] =	vst v4  }
0x82: {  	v9 =	vand.u32 $0x380, v9;
	v10 =	vand.u32 $0x380, v10;
	v11 =	vand.u32 $0x380, v11;
	v4 =	vld [tilespmem:s25+$0xFFFFFFE0];
	[tilespmem:s22+$0x20] =	vst v6;
	s22 =	smov.u32 s23  }
0x83: {  	v5 =	vor.u32 v5, v14;
	v1 =	vor.u32 v1, v12;
	v7 =	vor.u32 v7, v17;
	v6 =	vld [tilespmem:s25+$0xFFFFFFF0]  }
0x84: {  	v8 =	vor.u32 v8, v15;
	v9 =	vor.u32 v9, v13;
	v10 =	vor.u32 v10, v0;
	v12 =	vld [tilespmem:s25+$0x0]  }
0x85: {  	v11 =	vor.u32 v11, v2;
	v13 =	vld [tilespmem:s25+$0x10];
	v0 =	vshll.u32 v19, $0x3  }
0x86: {  	v2 =	vshrl.u32 v19, $0x1;
	v14 =	vand.u32 $0xFFFFF87F, v19;
	v15 =	vld [tilespmem:s25+$0x20];
	v0 =	vand.u32 $0x400, v0  }
0x87: {  	v17 =	vshll.u32 v3, $0x3;
	v2 =	vand.u32 $0x380, v2;
	v16 =	vld [tilespmem:s25+$0xFFFFFFC0];
	v0 =	vor.u32 v0, v14  }
0x88: {  	v14 =	vshll.u32 v4, $0x3;
	v18 =	vshll.u32 v6, $0x3;
	v19 =	vor.u32 v2, v0;
	v20 =	vld.idx.msk [tilespmem:v5+s2+$0x0], $0xffff  }
0x89: {  	v17 =	vand.u32 $0x400, v17;
	v21 =	vand.u32 $0x400, v14;
	v0 =	vshll.u32 v12, $0x3;
	v14 =	vld.idx.msk [tilespmem:v1+s2+$0x0], $0xffff  }
0x8a: {  	v22 =	vand.u32 $0x400, v18;
	v23 =	vand.u32 $0x400, v0;
	v0 =	vshll.u32 v13, $0x3;
	v18 =	vld.idx.msk [tilespmem:v7+s2+$0x0], $0xffff  }
0x8b: {  	v1 =	vshrl.u32 v3, $0x1;
	v0 =	vand.u32 $0x400, v0;
	v2 =	vshll.u32 v15, $0x3;
	v24 =	vld.idx.msk [tilespmem:v8+s2+$0x0], $0xffff  }
0x8c: {  	v7 =	vshll.u32 v16, $0x3;
	v5 =	vshrl.u32 v16, $0x1;
	v2 =	vand.u32 $0x400, v2;
	v25 =	vld.idx.msk [tilespmem:v9+s2+$0x0], $0xffff  }
0x8d: {  	v28 =	vand.u32 $0xFFFFF87F, v3;
	v27 =	vand.u32 $0xFFFFF87F, v16;
	v26 =	vand.u32 $0x400, v7;
	v3 =	vld.idx.msk [tilespmem:v19+s2+$0x0], $0xffff  }
.Ltmp2:
0x8e: {  	v8 =	vshrl.u32 v6, $0x1;
	v7 =	vshrl.u32 v4, $0x1;
	v19 =	vand.u32 $0xFFFFF87F, v4;
	[tilespmem:s23+$0xFFFFFFC0] =	vst v20;
	v4 =	vld.idx.msk [tilespmem:v10+s2+$0x0], $0xffff;
	(pc) =	sbr.rel @p0 .LBB2_5-.Ltmp2, $4  }
0x8f: {  	v29 =	vand.u32 $0xFFFFF87F, v12;
	v9 =	vshrl.u32 v12, $0x1;
	v20 =	vand.u32 $0xFFFFF87F, v6;
	[tilespmem:s23+$0xFFFFFFD0] =	vst v14;
	v6 =	vld.idx.msk [tilespmem:v11+s2+$0x0], $0xffff  }
0x90: {  	v16 =	vand.u32 $0xFFFFF87F, v13;
	v10 =	vshrl.u32 v13, $0x1;
	v11 =	vshrl.u32 v15, $0x1;
	[tilespmem:s23+$0xFFFFFFE0] =	vst v18  }
0x91: {  	v12 =	vor.u32 v17, v28;
	v14 =	vor.u32 v26, v27;
	v18 =	vand.u32 $0xFFFFF87F, v15;
	[tilespmem:s23+$0xFFFFFFF0] =	vst v24  }
0x92: {  	s25 =	sadd.s32 $0x80, s25;
	v17 =	vor.u32 v21, v19;
	v13 =	vor.u32 v23, v29;
	v15 =	vor.u32 v22, v20;
	s23 =	sadd.s32 $0x80, s23;
	[tilespmem:s22+$0x0] =	vst v25  }
0x93: {  	v5 =	vand.u32 $0x380, v5  }
0x94: {  	v1 =	vand.u32 $0x380, v1;
	v5 =	vor.u32 v5, v14  }
0x95: {  	v7 =	vand.u32 $0x380, v7;
	v1 =	vor.u32 v1, v12  }
0x96: {  	v8 =	vand.u32 $0x380, v8;
	v7 =	vor.u32 v7, v17  }
0x97: {  	v9 =	vand.u32 $0x380, v9;
	v8 =	vor.u32 v8, v15  }
0x98: {  	v0 =	vor.u32 v0, v16;
	v10 =	vand.u32 $0x380, v10;
	v9 =	vor.u32 v9, v13  }
0x99: {  	v2 =	vor.u32 v2, v18;
	v11 =	vand.u32 $0x380, v11;
	v0 =	vor.u32 v10, v0;
	v5 =	vld.idx.msk [tilespmem:v5+s2+$0x0], $0xffff  }
0x9a: {  	v2 =	vor.u32 v11, v2;
	v1 =	vld.idx.msk [tilespmem:v1+s2+$0x0], $0xffff  }
0x9b: {  	[tilespmem:s23+$0x30] =	vst v3;
	v3 =	vld.idx.msk [tilespmem:v7+s2+$0x0], $0xffff  }
0x9c: {  	[tilespmem:s22+$0x10] =	vst v4;
	v4 =	vld.idx.msk [tilespmem:v8+s2+$0x0], $0xffff  }
0x9d: {  	[tilespmem:s22+$0x20] =	vst v6;
	v6 =	vld.idx.msk [tilespmem:v9+s2+$0x0], $0xffff  }
0x9e: {  	v0 =	vld.idx.msk [tilespmem:v0+s2+$0x0], $0xffff;
	[tilespmem:s23+$0xFFFFFFC0] =	vst v5  }
0x9f: {  	[tilespmem:s23+$0xFFFFFFD0] =	vst v1;
	v1 =	vld.idx.msk [tilespmem:v2+s2+$0x0], $0xffff  }
0xa0: {  	[tilespmem:s23+$0xFFFFFFE0] =	vst v3  }
0xa1: {  	[tilespmem:s23+$0xFFFFFFF0] =	vst v4  }
0xa2: {  	[tilespmem:s23+$0x0] =	vst v6  }
0xa3: {  	[tilespmem:s23+$0x10] =	vst v0  }
0xa4: {  	[tilespmem:s23+$0x20] =	vst v1  }
0xa5: {  	s22 =	sld [smem:$0x7FD];
	_ =	sdelay $0x2  }
0xa6: {  	p0 =	seq.s32 s22, $0x1  }
0xa7: {  	s22 =	simm.s32 @!p0 $0x3  }
0xa8: {  	_ =	swait.ge @!p0 [sflag:s22], $0x1000  }
0xa9: {  	[sflag:s22] =	ssyncset.done @!p0 $0x0  }
0xaa: {  	[sflag:s22] =	ssyncadd.s32 @!p0 $0xFFFFF000;
	s22 =	simm.s32 @p6 $0x3  }
0xab: {  	_ =	swait.ge @p6 [sflag:s22], $0x1800  }
0xac: {  	[sflag:s22] =	ssyncset.done @p6 $0x0  }
0xad: {  	[sflag:s22] =	ssyncadd.s32 @p6 $0xFFFFE800;
	s22 =	simm.s32 @p4 $0x3  }
0xae: {  	_ =	swait.ge @p4 [sflag:s22], $0x1800  }
0xaf: {  	[sflag:s22] =	ssyncset.done @p4 $0x0  }
0xb0: {  	[sflag:s22] =	ssyncadd.s32 @p4 $0xFFFFE800;
	s22 =	simm.s32 @p5 $0x3  }
0xb1: {  	_ =	swait.ge @p5 [sflag:s22], $0x2C00  }
0xb2: {  	[sflag:s22] =	ssyncset.done @p5 $0x0  }
0xb3: {  	s30 =	simm.s32 $0x9870;
	[sflag:s22] =	ssyncadd.s32 @p5 $0xFFFFD400  }
0xb4: {  	[hbm4b:s10+s2] =	stream.linear.scatter [tilespmem:s17], [sflag:$0x1], $0x1000, $0x38;
	[tilespmem:$0xC800] =	vst v63  }
0xb5: {  	v0 =	vld [tilespmem:s30+$0x0]  }
0xb6: {  	v1 =	vld [tilespmem:s30+$0xFFFFFFA0]  }
0xb7: {  	v3 =	vld [tilespmem:s30+$0xFFFFFFC0]  }
0xb8: {  	v5 =	vld [tilespmem:s30+$0xFFFFFFE0]  }
0xb9: {  	v7 =	vld [tilespmem:s30+$0xFFFFFFF0]  }
0xba: {  	v9 =	vld [tilespmem:s30+$0xFFFFFF90];
	_ =	sdelay $0x1  }
0xbb: {  	v2 =	vld [tilespmem:s30+$0xFFFFFFB0]  }
0xbc: {  	v4 =	vld [tilespmem:s30+$0xFFFFFFD0];
	v6 =	vshll.u32 v0, $0x3;
	v8 =	vshrl.u32 v0, $0x1;
	v0 =	vand.u32 $0xFFFFF87F, v0  }
0xbd: {  	v10 =	vshll.u32 v1, $0x3;
	v11 =	vshll.u32 v3, $0x3;
	v12 =	vshll.u32 v5, $0x3  }
0xbe: {  	v13 =	vshrl.u32 v1, $0x1;
	v14 =	vshll.u32 v7, $0x3;
	v15 =	vshll.u32 v9, $0x3  }
0xbf: {  	v16 =	vshrl.u32 v9, $0x1;
	v9 =	vand.u32 $0xFFFFF87F, v9;
	v1 =	vand.u32 $0xFFFFF87F, v1  }
0xc0: {  	v17 =	vshrl.u32 v2, $0x1;
	v18 =	vshrl.u32 v3, $0x1;
	v3 =	vand.u32 $0xFFFFF87F, v3  }
0xc1: {  	v19 =	vshrl.u32 v4, $0x1;
	v20 =	vshrl.u32 v5, $0x1;
	v5 =	vand.u32 $0xFFFFF87F, v5  }
0xc2: {  	v21 =	vshrl.u32 v7, $0x1;
	v7 =	vand.u32 $0xFFFFF87F, v7;
	v6 =	vand.u32 $0x400, v6  }
0xc3: {  	v8 =	vand.u32 $0x380, v8;
	v11 =	vand.u32 $0x400, v11;
	v12 =	vand.u32 $0x400, v12  }
0xc4: {  	v14 =	vand.u32 $0x400, v14;
	v15 =	vand.u32 $0x400, v15;
	v0 =	vor.u32 v6, v0  }
0xc5: {  	v6 =	vshll.u32 v2, $0x3;
	v2 =	vand.u32 $0xFFFFF87F, v2;
	v9 =	vor.u32 v15, v9  }
0xc6: {  	v3 =	vor.u32 v11, v3;
	v5 =	vor.u32 v12, v5;
	v7 =	vor.u32 v14, v7  }
0xc7: {  	s31 =	simm.s32 $0x98F0;
	v11 =	vand.u32 $0x380, v13;
	v12 =	vand.u32 $0x380, v17;
	v13 =	vand.u32 $0x380, v18  }
0xc8: {  	v14 =	vld [tilespmem:s31+$0xFFFFFFB0];
	v15 =	vand.u32 $0x380, v19;
	v17 =	vand.u32 $0x380, v21;
	v0 =	vor.u32 v8, v0  }
0xc9: {  	v18 =	vld [tilespmem:s31+$0xFFFFFFC0];
	v8 =	vand.u32 $0x400, v10;
	v6 =	vand.u32 $0x400, v6;
	v10 =	vshll.u32 v4, $0x3  }
0xca: {  	v4 =	vand.u32 $0xFFFFF87F, v4;
	v3 =	vor.u32 v13, v3;
	v2 =	vor.u32 v6, v2;
	v6 =	vld [tilespmem:s31+$0x0]  }
0xcb: {  	v13 =	vld [tilespmem:s31+$0xFFFFFFE0];
	v10 =	vand.u32 $0x400, v10;
	v1 =	vor.u32 v8, v1;
	v8 =	vand.u32 $0x380, v16  }
0xcc: {  	v16 =	vand.u32 $0x380, v20;
	v4 =	vor.u32 v10, v4;
	v10 =	vld [tilespmem:s31+$0xFFFFFFA0];
	v8 =	vor.u32 v8, v9  }
0xcd: {  	v1 =	vor.u32 v11, v1;
	v2 =	vor.u32 v12, v2;
	v12 =	vor.u32 v16, v5;
	v9 =	vld [tilespmem:s31+$0xFFFFFF90]  }
0xce: {  	v11 =	vld [tilespmem:s31+$0xFFFFFFD0];
	v4 =	vor.u32 v15, v4;
	v15 =	vor.u32 v17, v7;
	v19 =	vshll.u32 v18, $0x3  }
0xcf: {  	v17 =	vld [tilespmem:s31+$0xFFFFFFF0];
	v31 =	vand.u32 $0xFFFFF87F, v14;
	v19 =	vand.u32 $0x400, v19;
	v5 =	vshll.u32 v6, $0x3  }
0xd0: {  	v26 =	vld.idx.msk [tilespmem:v3+s2+$0x0], $0xffff;
	v7 =	vshrl.u32 v6, $0x1;
	v6 =	vand.u32 $0xFFFFF87F, v6;
	v5 =	vand.u32 $0x400, v5  }
0xd1: {  	v16 =	vshll.u32 v10, $0x3;
	v7 =	vand.u32 $0x380, v7;
	v62 =	vld.idx.msk [tilespmem:v8+s2+$0x0], $0xffff;
	v5 =	vor.u32 v5, v6  }
0xd2: {  	v25 =	vld.idx.msk [tilespmem:v2+s2+$0x0], $0xffff;
	v3 =	vshll.u32 v9, $0x3;
	v29 =	vand.u32 $0xFFFFF87F, v9;
	v20 =	vor.u32 v7, v5  }
0xd3: {  	v30 =	vand.u32 $0xFFFFF87F, v10;
	v8 =	vshrl.u32 v18, $0x1;
	v63 =	vand.u32 $0xFFFFF87F, v11;
	v6 =	vld.idx.msk [tilespmem:v0+s2+$0x0], $0xffff  }
0xd4: {  	v0 =	vshll.u32 v14, $0x3;
	v22 =	vand.u32 $0x400, v16;
	v16 =	vld.idx.msk [tilespmem:v1+s2+$0x0], $0xffff;
	v1 =	vshrl.u32 v10, $0x1  }
0xd5: {  	s22 =	simm.s32 $0xB870;
	v2 =	vshll.u32 v17, $0x3;
	v28 =	vand.u32 $0x400, v3;
	v10 =	vshrl.u32 v13, $0x1  }
0xd6: {  	v27 =	vld.idx.msk [tilespmem:v4+s2+$0x0], $0xffff;
	v23 =	vand.u32 $0x400, v0;
	v0 =	vshll.u32 v11, $0x3;
	v5 =	vshrl.u32 v9, $0x1;
	[tilespmem:s22+$0xFFFFFFC0] =	vst v26  }
0xd7: {  	v2 =	vand.u32 $0x400, v2;
	v7 =	vshrl.u32 v14, $0x1;
	v9 =	vshrl.u32 v11, $0x1;
	[tilespmem:s22+$0xFFFFFF90] =	vst v62;
	v3 =	vld.idx.msk [tilespmem:v20+s2+$0x0], $0xffff  }
0xd8: {  	v4 =	vld.idx.msk [tilespmem:v12+s2+$0x0], $0xffff;
	v11 =	vshrl.u32 v17, $0x1;
	v24 =	vand.u32 $0x400, v0;
	v0 =	vshll.u32 v13, $0x3;
	[tilespmem:s22+$0xFFFFFFB0] =	vst v25  }
0xd9: {  	v14 =	vor.u32 v28, v29;
	v12 =	vor.u32 v22, v30;
	v0 =	vand.u32 $0x400, v0;
	[tilespmem:s22+$0x0] =	vst v6;
	v6 =	vld.idx.msk [tilespmem:v15+s2+$0x0], $0xffff  }
0xda: {  	[tilespmem:s22+$0xFFFFFFA0] =	vst v16;
	v16 =	vand.u32 $0xFFFFF87F, v13;
	v13 =	vor.u32 v24, v63;
	v20 =	vand.u32 $0xFFFFF87F, v18  }
0xdb: {  	s24 =	simm.s32 $0x1080;
	s25 =	simm.s32 $0x9970;
	s23 =	simm.s32 $0xB8F0;
	[tilespmem:s22+$0xFFFFFFD0] =	vst v27;
	v18 =	vand.u32 $0xFFFFF87F, v17;
	v17 =	vor.u32 v23, v31;
	v15 =	vor.u32 v19, v20  }
.LBB2_7:
0xdc: {  	v19 =	vld [tilespmem:s25+$0x0];
	s24 =	sadd.s32 $0x80, s24;
	v5 =	vand.u32 $0x380, v5;
	v0 =	vor.u32 v0, v16;
	v2 =	vor.u32 v2, v18;
	[tilespmem:s23+$0x0] =	vst v3  }
0xdd: {  	v1 =	vand.u32 $0x380, v1;
	v7 =	vand.u32 $0x380, v7;
	v8 =	vand.u32 $0x380, v8;
	v3 =	vld [tilespmem:s25+$0xFFFFFFA0];
	p0 =	slt.u32 s24, $0x1F80;
	[tilespmem:s22+$0xFFFFFFE0] =	vst v4  }
0xde: {  	v9 =	vand.u32 $0x380, v9;
	v10 =	vand.u32 $0x380, v10;
	v11 =	vand.u32 $0x380, v11;
	v4 =	vld [tilespmem:s25+$0xFFFFFFB0];
	[tilespmem:s22+$0xFFFFFFF0] =	vst v6;
	s22 =	smov.u32 s23  }
0xdf: {  	v5 =	vor.u32 v5, v14;
	v1 =	vor.u32 v1, v12;
	v7 =	vor.u32 v7, v17;
	v6 =	vld [tilespmem:s25+$0xFFFFFFC0]  }
0xe0: {  	v8 =	vor.u32 v8, v15;
	v9 =	vor.u32 v9, v13;
	v10 =	vor.u32 v10, v0;
	v12 =	vld [tilespmem:s25+$0xFFFFFFD0]  }
0xe1: {  	v11 =	vor.u32 v11, v2;
	v13 =	vld [tilespmem:s25+$0xFFFFFFE0];
	v0 =	vshll.u32 v19, $0x3  }
0xe2: {  	v2 =	vshrl.u32 v19, $0x1;
	v14 =	vand.u32 $0xFFFFF87F, v19;
	v15 =	vld [tilespmem:s25+$0xFFFFFFF0];
	v0 =	vand.u32 $0x400, v0  }
0xe3: {  	v17 =	vshll.u32 v3, $0x3;
	v2 =	vand.u32 $0x380, v2;
	v16 =	vld [tilespmem:s25+$0xFFFFFF90];
	v0 =	vor.u32 v0, v14  }
0xe4: {  	v14 =	vshll.u32 v4, $0x3;
	v18 =	vshll.u32 v6, $0x3;
	v19 =	vor.u32 v2, v0;
	v20 =	vld.idx.msk [tilespmem:v5+s2+$0x0], $0xffff  }
0xe5: {  	v17 =	vand.u32 $0x400, v17;
	v21 =	vand.u32 $0x400, v14;
	v0 =	vshll.u32 v12, $0x3;
	v14 =	vld.idx.msk [tilespmem:v1+s2+$0x0], $0xffff  }
0xe6: {  	v22 =	vand.u32 $0x400, v18;
	v23 =	vand.u32 $0x400, v0;
	v0 =	vshll.u32 v13, $0x3;
	v18 =	vld.idx.msk [tilespmem:v7+s2+$0x0], $0xffff  }
0xe7: {  	v1 =	vshrl.u32 v3, $0x1;
	v0 =	vand.u32 $0x400, v0;
	v2 =	vshll.u32 v15, $0x3;
	v24 =	vld.idx.msk [tilespmem:v8+s2+$0x0], $0xffff  }
0xe8: {  	v7 =	vshll.u32 v16, $0x3;
	v5 =	vshrl.u32 v16, $0x1;
	v2 =	vand.u32 $0x400, v2;
	v25 =	vld.idx.msk [tilespmem:v9+s2+$0x0], $0xffff  }
0xe9: {  	v28 =	vand.u32 $0xFFFFF87F, v3;
	v27 =	vand.u32 $0xFFFFF87F, v16;
	v26 =	vand.u32 $0x400, v7;
	v3 =	vld.idx.msk [tilespmem:v19+s2+$0x0], $0xffff  }
.Ltmp3:
0xea: {  	v8 =	vshrl.u32 v6, $0x1;
	v7 =	vshrl.u32 v4, $0x1;
	v19 =	vand.u32 $0xFFFFF87F, v4;
	[tilespmem:s23+$0xFFFFFF90] =	vst v20;
	v4 =	vld.idx.msk [tilespmem:v10+s2+$0x0], $0xffff;
	(pc) =	sbr.rel @p0 .LBB2_7-.Ltmp3, $4  }
0xeb: {  	v29 =	vand.u32 $0xFFFFF87F, v12;
	v9 =	vshrl.u32 v12, $0x1;
	v20 =	vand.u32 $0xFFFFF87F, v6;
	[tilespmem:s23+$0xFFFFFFA0] =	vst v14;
	v6 =	vld.idx.msk [tilespmem:v11+s2+$0x0], $0xffff  }
0xec: {  	v16 =	vand.u32 $0xFFFFF87F, v13;
	v10 =	vshrl.u32 v13, $0x1;
	v11 =	vshrl.u32 v15, $0x1;
	[tilespmem:s23+$0xFFFFFFB0] =	vst v18  }
0xed: {  	v12 =	vor.u32 v17, v28;
	v14 =	vor.u32 v26, v27;
	v18 =	vand.u32 $0xFFFFF87F, v15;
	[tilespmem:s23+$0xFFFFFFC0] =	vst v24  }
0xee: {  	s25 =	sadd.s32 $0x80, s25;
	v17 =	vor.u32 v21, v19;
	v13 =	vor.u32 v23, v29;
	v15 =	vor.u32 v22, v20;
	s23 =	sadd.s32 $0x80, s23;
	[tilespmem:s22+$0xFFFFFFD0] =	vst v25  }
0xef: {  	v5 =	vand.u32 $0x380, v5  }
0xf0: {  	v1 =	vand.u32 $0x380, v1;
	v5 =	vor.u32 v5, v14  }
0xf1: {  	v7 =	vand.u32 $0x380, v7;
	v1 =	vor.u32 v1, v12  }
0xf2: {  	v8 =	vand.u32 $0x380, v8;
	v7 =	vor.u32 v7, v17  }
0xf3: {  	v9 =	vand.u32 $0x380, v9;
	v8 =	vor.u32 v8, v15  }
0xf4: {  	v0 =	vor.u32 v0, v16;
	v10 =	vand.u32 $0x380, v10;
	v9 =	vor.u32 v9, v13  }
0xf5: {  	v2 =	vor.u32 v2, v18;
	v11 =	vand.u32 $0x380, v11;
	v0 =	vor.u32 v10, v0;
	v5 =	vld.idx.msk [tilespmem:v5+s2+$0x0], $0xffff  }
0xf6: {  	v2 =	vor.u32 v11, v2;
	v1 =	vld.idx.msk [tilespmem:v1+s2+$0x0], $0xffff  }
0xf7: {  	[tilespmem:s23+$0x0] =	vst v3;
	v60 =	vld.idx.msk [tilespmem:v7+s2+$0x0], $0xffff  }
0xf8: {  	[tilespmem:s22+$0xFFFFFFE0] =	vst v4;
	v61 =	vld.idx.msk [tilespmem:v8+s2+$0x0], $0xffff  }
0xf9: {  	[tilespmem:s22+$0xFFFFFFF0] =	vst v6;
	v62 =	vld.idx.msk [tilespmem:v9+s2+$0x0], $0xffff  }
0xfa: {  	v0 =	vld.idx.msk [tilespmem:v0+s2+$0x0], $0xffff;
	[tilespmem:s23+$0xFFFFFF90] =	vst v5  }
0xfb: {  	v63 =	vld.idx.msk [tilespmem:v2+s2+$0x0], $0xffff;
	[tilespmem:s23+$0xFFFFFFA0] =	vst v1  }
0xfc: {  	[tilespmem:s23+$0xFFFFFFB0] =	vst v60  }
0xfd: {  	[tilespmem:s23+$0xFFFFFFC0] =	vst v61  }
0xfe: {  	[tilespmem:s23+$0xFFFFFFD0] =	vst v62  }
0xff: {  	[tilespmem:s23+$0xFFFFFFE0] =	vst v0  }
0x100: {  	[tilespmem:s23+$0xFFFFFFF0] =	vst v63  }
0x101: {  	s21 =	sadd.s32 $0x1, s21;
	_ =	swait.ge [sflag:s18], $0x1000  }
0x102: {  	p0 =	sne.s32 s21, s14;
	[sflag:s18] =	ssyncset.done $0x0  }
.Ltmp4:
0x103: {  	[sflag:s18] =	ssyncadd.s32 $0xFFFFF000;
	(pc) =	sbr.rel @p0 .LBB2_1-.Ltmp4, $4  }
0x104: {  	[hbm4b:s13+s2] =	stream.linear.scatter [tilespmem:s19], [sflag:$0x4], $0xFE0, $0x38;
	[tilespmem:$0xC800] =	vst v63  }
0x105: {  	_ =	swait.ge [sflag:s20], $0xFE0  }
0x106: {  	[sflag:s20] =	ssyncset.done $0x0  }
0x107: {  	[sflag:s20] =	ssyncadd.s32 $0xFFFFF020  }
0x108: {  	_ =	sfence.sel $0x180000  }
0x109: {  	[bflag:$0x0] =	sbarrier.arrive $0xFFFF  }
0x10a: {  	p0 =	sne.s32 s1, $0x0;
	_ =	strace $0x90000047  }
0x10b: {  	s0 =	sadd.s32 @!p0 $0x100000, s0;
	[bflag:$0x2] =	sbarrier.arrive $0xFFFF  }
0x10c: {  	[sflag:s0] =	ssyncadd.tile.s32 @!p0 $0x1;
	_ =	shalt  }
.Lfunc_end2:
_tile_overlayer_lowered:
.L_overlay_start_2:
0x10d: {  	(tag) =	ssettag $0x2  }
0x10e: {  	s0 =	rddreg [dreg:$0x0];
	s2 =	stileid.u32  }
0x10f: {  	s1 =	rddreg [dreg:$0x1];
	p0 =	sne.s32 s2, $0x0  }
0x110: {  	s3 =	rddreg [dreg:$0x2];
	[bflag:$0x3] =	sbarrier.arrive $0xFFFF;
	s2 =	simm.s32 @!p0 $0x1C04  }
0x111: {  	[timem:s3], [sflag:s2] =	dma.local @!p0 [hbm:s0], s1  }
0x112: {  	s0 =	simm.s32 @!p0 $0x4  }
0x113: {  	_ =	swait.ge @!p0 [sflag:s0], s1  }
0x114: {  	s1 =	ssub.s32 @!p0 $0x0, s1;
	[sflag:s0] =	ssyncset.done @!p0 $0x0  }
0x115: {  	[sflag:s0] =	ssyncadd.s32 @!p0 s1  }
0x116: {  	[bflag:$0x3] =	sbarrier.arrive $0xFFFF  }
0x117: {  	_ =	shalt  }

</sc_bundles>
